<compile_context>
chip_gen: v7x
topology: tpu7x:2x2x1
jax: 0.10.2.dev20260603
libtpu: 0.0.44.dev20260713+nightly
codegen_flags: <defaults>
</compile_context>

<pallas_src>
import functools

import jax
import jax.numpy as jnp
from jax import lax
from jax.experimental import pallas as pl
from jax.experimental.pallas import tpu as pltpu
from jax.experimental.pallas import tpu_sc as plsc

_BATCH = 16384
_DIM = 128
_NC = 2
_NS = 16
_NW = _NC * _NS
_BPW = _BATCH // _NW
_CHUNK = 128
_NCHUNK = _BPW // _CHUNK
_NT = 2 * _NCHUNK
_NBUF = min(_NT - 1, 14)
_ROWS = 513
_OFF_T = 520


def _tec_body(starts_hbm, totals_hbm, start_hbm, total_hbm,
              out_s_hbm, out_t_hbm, idx_s_v, idx_t_v, rows_v, tabs_sh,
              sem_i, sem_g, sem_o):
    cid = lax.axis_index("c")
    sid = lax.axis_index("s")
    wid = sid * _NC + cid
    base = wid * _BPW
    idx_cps = [
        pltpu.async_copy(starts_hbm.at[pl.ds(base, _BPW)], idx_s_v, sem_i),
        pltpu.async_copy(totals_hbm.at[pl.ds(base, _BPW)], idx_t_v, sem_i),
    ]

    def _idx(k):
        ref = idx_s_v if k < _NCHUNK else idx_t_v
        return ref.at[pl.ds((k % _NCHUNK) * _CHUNK, _CHUNK)]

    @pl.when(sid == 0)
    def _():
        pltpu.sync_copy(start_hbm, tabs_sh.at[pl.ds(0, _ROWS)])

    @pl.when(sid == 1)
    def _():
        pltpu.sync_copy(total_hbm, tabs_sh.at[pl.ds(_OFF_T, _ROWS)])

    for cp in idx_cps:
        cp.wait()
    plsc.subcore_barrier()

    gathers = [None] * _NT
    outs = [None] * _NT
    for k in range(_NBUF):
        gathers[k] = pltpu.async_copy(
            tabs_sh.at[_idx(k)], rows_v.at[k], sem_g.at[k])
    for k in range(_NT):
        buf = k % _NBUF
        if k >= _NBUF:
            outs[k - _NBUF].wait()
            gathers[k] = pltpu.async_copy(
                tabs_sh.at[_idx(k)], rows_v.at[buf], sem_g.at[k])
        out = out_s_hbm if k < _NCHUNK else out_t_hbm
        gathers[k].wait()
        c = k % _NCHUNK
        outs[k] = pltpu.async_copy(
            rows_v.at[buf], out.at[pl.ds(base + c * _CHUNK, _CHUNK)], sem_o.at[k])
    for k in range(_NT - _NBUF, _NT):
        outs[k].wait()


_lookup = functools.partial(
    pl.kernel,
    out_type=(jax.ShapeDtypeStruct((_BATCH, _DIM), jnp.float32),
              jax.ShapeDtypeStruct((_BATCH, _DIM), jnp.float32)),
    mesh=plsc.VectorSubcoreMesh(core_axis_name="c", subcore_axis_name="s"),
    scratch_types=[
        pltpu.VMEM((_BPW,), jnp.int32),
        pltpu.VMEM((_BPW,), jnp.int32),
        pltpu.VMEM((_NBUF, _CHUNK, _DIM), jnp.float32),
        pltpu.VMEM_SHARED((_OFF_T + _ROWS, _DIM), jnp.float32),
        pltpu.SemaphoreType.DMA,
        pltpu.SemaphoreType.DMA((_NT,)),
        pltpu.SemaphoreType.DMA((_NT,)),
    ],
)(_tec_body)


def kernel(seconds_starts_totals, start_table, total_table):
    maxi = start_table.shape[0] - 1
    sst = jnp.clip(seconds_starts_totals, 0, maxi)
    out_s, out_t = _lookup(sst[:, 0], sst[:, 1] + _OFF_T,
                           start_table, total_table)
    return (out_s[:, None, :], out_t[:, None, :])

# --- scband reference (transcript-rebuilt; emitter-appended) ---
"""Pipeline reference for scband-timing-conditioner-24472723652690 (READ-ONLY COPY).

The authoritative reference and input builder live on the scoring server;
editing this copy changes nothing except your own understanding.
"""

import jax, jax.numpy as jnp
import numpy as np

BATCH = 16384
OUTPUT_DIM = 128
MAX_SECONDS = 512

def setup_inputs(seed: int = 0) -> dict:
    key = jax.random.key(seed)
    k1, k2, k3 = jax.random.split(key, 3)
    seconds_starts_totals = jax.random.randint(k1, (BATCH, 2), 0, MAX_SECONDS + 1, dtype=jnp.int32)
    start_table = jax.random.normal(k2, (MAX_SECONDS + 1, OUTPUT_DIM), dtype=jnp.float32) * 0.02
    total_table = jax.random.normal(k3, (MAX_SECONDS + 1, OUTPUT_DIM), dtype=jnp.float32) * 0.02
    return {"seconds_starts_totals": seconds_starts_totals, "start_table": start_table, "total_table": total_table}

def reference(seconds_starts_totals, start_table, total_table):
    max_seconds = start_table.shape[0] - 1
    sst = jnp.clip(seconds_starts_totals, 0, max_seconds)
    seconds_starts = sst[:, 0]
    seconds_totals = sst[:, 1]
    seconds_starts_embeds = jnp.take(start_table, seconds_starts, axis=0)[:, None, :]
    seconds_totals_embeds = jnp.take(total_table, seconds_totals, axis=0)[:, None, :]
    return (seconds_starts_embeds, seconds_totals_embeds)

if __name__ == "__main__":
    import jax
    _d = setup_inputs()
    print(jax.jit(kernel)(*tuple(_d.values())))

</pallas_src>

<mosaic_0001>
#map = affine_map<(d0, d1) -> (0)>
#map1 = affine_map<(d0, d1) -> (0, 0)>
module attributes {stable_mosaic.version = 14 : i64} {
  func.func @_tec_body(%arg0: i32, %arg1: i32, %arg2: memref<16384xi32, #tpu.memory_space<hbm>>, %arg3: memref<16384xi32, #tpu.memory_space<hbm>>, %arg4: memref<513x128xf32, #tpu.memory_space<hbm>>, %arg5: memref<513x128xf32, #tpu.memory_space<hbm>>, %arg6: memref<16384x128xf32, #tpu.memory_space<hbm>>, %arg7: memref<16384x128xf32, #tpu.memory_space<hbm>>, %arg8: memref<512xi32, #tpu.memory_space<vmem>>, %arg9: memref<512xi32, #tpu.memory_space<vmem>>, %arg10: memref<7x128x128xf32, #tpu.memory_space<vmem>>, %arg11: memref<1033x128xf32, #tpu.memory_space<vmem_shared>>, %arg12: memref<!tpu.dma_semaphore, #tpu.memory_space<semaphore_mem>>, %arg13: memref<8x!tpu.dma_semaphore, #tpu.memory_space<semaphore_mem>>, %arg14: memref<8x!tpu.dma_semaphore, #tpu.memory_space<semaphore_mem>>) attributes {dimension_semantics = [#tpu.dimension_semantics<core_parallel>, #tpu.dimension_semantics<subcore_parallel>], iteration_bounds = array<i64: 2, 16>, scalar_prefetch = 0 : i64, scratch_operands = 7 : i64, tpu.core_type = #tpu.core_type<sc_vector_subcore>, window_params = [{transform_indices = #map}, {transform_indices = #map}, {transform_indices = #map1}, {transform_indices = #map1}, {transform_indices = #map1}, {transform_indices = #map1}]} {
    %mul3A = arith.constant 2 : i32
    %mul3A_0 = arith.muli %arg1, %mul3A : i32
    %add3A = arith.addi %mul3A_0, %arg0 : i32
    %mul3A_1 = arith.constant 512 : i32
    %mul3A_2 = arith.muli %add3A, %mul3A_1 : i32
    %dma_start3A = tpu.memref_slice %arg2[%mul3A_2] : memref<16384xi32, #tpu.memory_space<hbm>> -> memref<512xi32, #tpu.memory_space<hbm>>
    %dma_start3A_3 = tpu.memref_slice %arg2[%mul3A_2] : memref<16384xi32, #tpu.memory_space<hbm>> -> memref<512xi32, #tpu.memory_space<hbm>>
    tpu.enqueue_dma source(%dma_start3A_3 : memref<512xi32, #tpu.memory_space<hbm>>) target(%arg8 : memref<512xi32, #tpu.memory_space<vmem>>) target_semaphore(%arg12 : memref<!tpu.dma_semaphore, #tpu.memory_space<semaphore_mem>>)
    %dma_start3A_4 = tpu.memref_slice %arg3[%mul3A_2] : memref<16384xi32, #tpu.memory_space<hbm>> -> memref<512xi32, #tpu.memory_space<hbm>>
    %dma_start3A_5 = tpu.memref_slice %arg3[%mul3A_2] : memref<16384xi32, #tpu.memory_space<hbm>> -> memref<512xi32, #tpu.memory_space<hbm>>
    tpu.enqueue_dma source(%dma_start3A_5 : memref<512xi32, #tpu.memory_space<hbm>>) target(%arg9 : memref<512xi32, #tpu.memory_space<vmem>>) target_semaphore(%arg12 : memref<!tpu.dma_semaphore, #tpu.memory_space<semaphore_mem>>)
    %eq3A = arith.constant 0 : i32
    %eq3A_6 = arith.cmpi eq, %arg1, %eq3A : i32
    %convert_element_type3A = arith.extui %eq3A_6 : i1 to i32
    %cond3A = arith.constant 0 : i32
    %cond3A_7 = arith.cmpi ne, %convert_element_type3A, %cond3A : i32
    scf.if %cond3A_7 {
      "tpu.region"() ({
        %run_scoped3A = tpu.sem_alloc : memref<!tpu.dma_semaphore, #tpu.memory_space<semaphore_mem>>
        %dma_start3A_496 = arith.constant 0 : i32
        %dma_start3A_497 = arith.constant 0 : i32
        %dma_start3A_498 = tpu.memref_slice %arg11[%dma_start3A_496, %dma_start3A_497] : memref<1033x128xf32, #tpu.memory_space<vmem_shared>> -> memref<513x128xf32, #tpu.memory_space<vmem_shared>>
        tpu.enqueue_dma source(%arg4 : memref<513x128xf32, #tpu.memory_space<hbm>>) target(%dma_start3A_498 : memref<513x128xf32, #tpu.memory_space<vmem_shared>>) target_semaphore(%run_scoped3A : memref<!tpu.dma_semaphore, #tpu.memory_space<semaphore_mem>>)
        %dma_wait3A_499 = arith.constant 0 : i32
        %dma_wait3A_500 = arith.constant 0 : i32
        %dma_wait3A_501 = tpu.memref_slice %arg11[%dma_wait3A_499, %dma_wait3A_500] : memref<1033x128xf32, #tpu.memory_space<vmem_shared>> -> memref<513x128xf32, #tpu.memory_space<vmem_shared>>
        tpu.wait_dma2 semaphore(%run_scoped3A : memref<!tpu.dma_semaphore, #tpu.memory_space<semaphore_mem>>) src(%arg4 : memref<513x128xf32, #tpu.memory_space<hbm>>) dst(%dma_wait3A_501 : memref<513x128xf32, #tpu.memory_space<vmem_shared>>)
        tpu.yield
      }) : () -> ()
    } else {
    }
    %eq3A_8 = arith.constant 1 : i32
    %eq3A_9 = arith.cmpi eq, %arg1, %eq3A_8 : i32
    %convert_element_type3A_10 = arith.extui %eq3A_9 : i1 to i32
    %cond3A_11 = arith.constant 0 : i32
    %cond3A_12 = arith.cmpi ne, %convert_element_type3A_10, %cond3A_11 : i32
    scf.if %cond3A_12 {
      "tpu.region"() ({
        %run_scoped3A = tpu.sem_alloc : memref<!tpu.dma_semaphore, #tpu.memory_space<semaphore_mem>>
        %dma_start3A_496 = arith.constant 520 : i32
        %dma_start3A_497 = arith.constant 0 : i32
        %dma_start3A_498 = tpu.memref_slice %arg11[%dma_start3A_496, %dma_start3A_497] : memref<1033x128xf32, #tpu.memory_space<vmem_shared>> -> memref<513x128xf32, #tpu.memory_space<vmem_shared>>
        tpu.enqueue_dma source(%arg5 : memref<513x128xf32, #tpu.memory_space<hbm>>) target(%dma_start3A_498 : memref<513x128xf32, #tpu.memory_space<vmem_shared>>) target_semaphore(%run_scoped3A : memref<!tpu.dma_semaphore, #tpu.memory_space<semaphore_mem>>)
        %dma_wait3A_499 = arith.constant 520 : i32
        %dma_wait3A_500 = arith.constant 0 : i32
        %dma_wait3A_501 = tpu.memref_slice %arg11[%dma_wait3A_499, %dma_wait3A_500] : memref<1033x128xf32, #tpu.memory_space<vmem_shared>> -> memref<513x128xf32, #tpu.memory_space<vmem_shared>>
        tpu.wait_dma2 semaphore(%run_scoped3A : memref<!tpu.dma_semaphore, #tpu.memory_space<semaphore_mem>>) src(%arg5 : memref<513x128xf32, #tpu.memory_space<hbm>>) dst(%dma_wait3A_501 : memref<513x128xf32, #tpu.memory_space<vmem_shared>>)
        tpu.yield
      }) : () -> ()
    } else {
    }
    %dma_wait3A = tpu.memref_slice %arg2[%mul3A_2] : memref<16384xi32, #tpu.memory_space<hbm>> -> memref<512xi32, #tpu.memory_space<hbm>>
    %dma_wait3A_13 = tpu.memref_slice %arg2[%mul3A_2] : memref<16384xi32, #tpu.memory_space<hbm>> -> memref<512xi32, #tpu.memory_space<hbm>>
    tpu.wait_dma2 semaphore(%arg12 : memref<!tpu.dma_semaphore, #tpu.memory_space<semaphore_mem>>) src(%dma_wait3A_13 : memref<512xi32, #tpu.memory_space<hbm>>) dst(%arg8 : memref<512xi32, #tpu.memory_space<vmem>>)
    %dma_wait3A_14 = tpu.memref_slice %arg3[%mul3A_2] : memref<16384xi32, #tpu.memory_space<hbm>> -> memref<512xi32, #tpu.memory_space<hbm>>
    %dma_wait3A_15 = tpu.memref_slice %arg3[%mul3A_2] : memref<16384xi32, #tpu.memory_space<hbm>> -> memref<512xi32, #tpu.memory_space<hbm>>
    tpu.wait_dma2 semaphore(%arg12 : memref<!tpu.dma_semaphore, #tpu.memory_space<semaphore_mem>>) src(%dma_wait3A_15 : memref<512xi32, #tpu.memory_space<hbm>>) dst(%arg9 : memref<512xi32, #tpu.memory_space<vmem>>)
    %barrier3A = arith.constant 0 : index
    tpu.barrier barrier_id(%barrier3A)
    %dma_start3A_16 = arith.constant 0 : i32
    %dma_start3A_17 = arith.constant 0 : i32
    %dma_start3A_18 = arith.constant 0 : i32
    %dma_start3A_19 = arith.constant 0 : i32
    %dma_start3A_20 = tpu.memref_slice %arg10[%dma_start3A_16, %dma_start3A_18, %dma_start3A_19] : memref<7x128x128xf32, #tpu.memory_space<vmem>> -> memref<1x128x128xf32, #tpu.memory_space<vmem>>
    %dma_start3A_21 = tpu.memref_squeeze %dma_start3A_20 : memref<1x128x128xf32, #tpu.memory_space<vmem>> -> memref<128x128xf32, #tpu.memory_space<vmem>>
    %dma_start3A_22 = arith.constant 0 : i32
    %dma_start3A_23 = tpu.memref_slice %arg8[%dma_start3A_22] : memref<512xi32, #tpu.memory_space<vmem>> -> memref<128xi32, #tpu.memory_space<vmem>>
    %dma_start3A_24 = arith.constant 0 : i32
    %dma_start3A_25 = arith.constant 0 : i32
    %dma_start3A_26 = tpu.memref_slice %arg11[%dma_start3A_24, %dma_start3A_25] : memref<1033x128xf32, #tpu.memory_space<vmem_shared>> -> memref<1033x128xf32, #tpu.memory_space<vmem_shared>>
    %dma_start3A_27 = tpu.memref_slice %arg13[%dma_start3A_17] : memref<8x!tpu.dma_semaphore, #tpu.memory_space<semaphore_mem>> -> memref<1x!tpu.dma_semaphore, #tpu.memory_space<semaphore_mem>>
    %dma_start3A_28 = tpu.memref_squeeze %dma_start3A_27 : memref<1x!tpu.dma_semaphore, #tpu.memory_space<semaphore_mem>> -> memref<!tpu.dma_semaphore, #tpu.memory_space<semaphore_mem>>
    tpu.enqueue_indirect_dma source(%dma_start3A_26 : memref<1033x128xf32, #tpu.memory_space<vmem_shared>>) target(%dma_start3A_21 : memref<128x128xf32, #tpu.memory_space<vmem>>) offsets(%dma_start3A_23 : memref<128xi32, #tpu.memory_space<vmem>>) semaphore(%dma_start3A_28 : memref<!tpu.dma_semaphore, #tpu.memory_space<semaphore_mem>>)
    %dma_start3A_29 = arith.constant 1 : i32
    %dma_start3A_30 = arith.constant 1 : i32
    %dma_start3A_31 = arith.constant 0 : i32
    %dma_start3A_32 = arith.constant 0 : i32
    %dma_start3A_33 = tpu.memref_slice %arg10[%dma_start3A_29, %dma_start3A_31, %dma_start3A_32] : memref<7x128x128xf32, #tpu.memory_space<vmem>> -> memref<1x128x128xf32, #tpu.memory_space<vmem>>
    %dma_start3A_34 = tpu.memref_squeeze %dma_start3A_33 : memref<1x128x128xf32, #tpu.memory_space<vmem>> -> memref<128x128xf32, #tpu.memory_space<vmem>>
    %dma_start3A_35 = arith.constant 128 : i32
    %dma_start3A_36 = tpu.memref_slice %arg8[%dma_start3A_35] : memref<512xi32, #tpu.memory_space<vmem>> -> memref<128xi32, #tpu.memory_space<vmem>>
    %dma_start3A_37 = arith.constant 0 : i32
    %dma_start3A_38 = arith.constant 0 : i32
    %dma_start3A_39 = tpu.memref_slice %arg11[%dma_start3A_37, %dma_start3A_38] : memref<1033x128xf32, #tpu.memory_space<vmem_shared>> -> memref<1033x128xf32, #tpu.memory_space<vmem_shared>>
    %dma_start3A_40 = tpu.memref_slice %arg13[%dma_start3A_30] : memref<8x!tpu.dma_semaphore, #tpu.memory_space<semaphore_mem>> -> memref<1x!tpu.dma_semaphore, #tpu.memory_space<semaphore_mem>>
    %dma_start3A_41 = tpu.memref_squeeze %dma_start3A_40 : memref<1x!tpu.dma_semaphore, #tpu.memory_space<semaphore_mem>> -> memref<!tpu.dma_semaphore, #tpu.memory_space<semaphore_mem>>
    tpu.enqueue_indirect_dma source(%dma_start3A_39 : memref<1033x128xf32, #tpu.memory_space<vmem_shared>>) target(%dma_start3A_34 : memref<128x128xf32, #tpu.memory_space<vmem>>) offsets(%dma_start3A_36 : memref<128xi32, #tpu.memory_space<vmem>>) semaphore(%dma_start3A_41 : memref<!tpu.dma_semaphore, #tpu.memory_space<semaphore_mem>>)
    %dma_start3A_42 = arith.constant 2 : i32
    %dma_start3A_43 = arith.constant 2 : i32
    %dma_start3A_44 = arith.constant 0 : i32
    %dma_start3A_45 = arith.constant 0 : i32
    %dma_start3A_46 = tpu.memref_slice %arg10[%dma_start3A_42, %dma_start3A_44, %dma_start3A_45] : memref<7x128x128xf32, #tpu.memory_space<vmem>> -> memref<1x128x128xf32, #tpu.memory_space<vmem>>
    %dma_start3A_47 = tpu.memref_squeeze %dma_start3A_46 : memref<1x128x128xf32, #tpu.memory_space<vmem>> -> memref<128x128xf32, #tpu.memory_space<vmem>>
    %dma_start3A_48 = arith.constant 256 : i32
    %dma_start3A_49 = tpu.memref_slice %arg8[%dma_start3A_48] : memref<512xi32, #tpu.memory_space<vmem>> -> memref<128xi32, #tpu.memory_space<vmem>>
    %dma_start3A_50 = arith.constant 0 : i32
    %dma_start3A_51 = arith.constant 0 : i32
    %dma_start3A_52 = tpu.memref_slice %arg11[%dma_start3A_50, %dma_start3A_51] : memref<1033x128xf32, #tpu.memory_space<vmem_shared>> -> memref<1033x128xf32, #tpu.memory_space<vmem_shared>>
    %dma_start3A_53 = tpu.memref_slice %arg13[%dma_start3A_43] : memref<8x!tpu.dma_semaphore, #tpu.memory_space<semaphore_mem>> -> memref<1x!tpu.dma_semaphore, #tpu.memory_space<semaphore_mem>>
    %dma_start3A_54 = tpu.memref_squeeze %dma_start3A_53 : memref<1x!tpu.dma_semaphore, #tpu.memory_space<semaphore_mem>> -> memref<!tpu.dma_semaphore, #tpu.memory_space<semaphore_mem>>
    tpu.enqueue_indirect_dma source(%dma_start3A_52 : memref<1033x128xf32, #tpu.memory_space<vmem_shared>>) target(%dma_start3A_47 : memref<128x128xf32, #tpu.memory_space<vmem>>) offsets(%dma_start3A_49 : memref<128xi32, #tpu.memory_space<vmem>>) semaphore(%dma_start3A_54 : memref<!tpu.dma_semaphore, #tpu.memory_space<semaphore_mem>>)
    %dma_start3A_55 = arith.constant 3 : i32
    %dma_start3A_56 = arith.constant 3 : i32
    %dma_start3A_57 = arith.constant 0 : i32
    %dma_start3A_58 = arith.constant 0 : i32
    %dma_start3A_59 = tpu.memref_slice %arg10[%dma_start3A_55, %dma_start3A_57, %dma_start3A_58] : memref<7x128x128xf32, #tpu.memory_space<vmem>> -> memref<1x128x128xf32, #tpu.memory_space<vmem>>
    %dma_start3A_60 = tpu.memref_squeeze %dma_start3A_59 : memref<1x128x128xf32, #tpu.memory_space<vmem>> -> memref<128x128xf32, #tpu.memory_space<vmem>>
    %dma_start3A_61 = arith.constant 384 : i32
    %dma_start3A_62 = tpu.memref_slice %arg8[%dma_start3A_61] : memref<512xi32, #tpu.memory_space<vmem>> -> memref<128xi32, #tpu.memory_space<vmem>>
    %dma_start3A_63 = arith.constant 0 : i32
    %dma_start3A_64 = arith.constant 0 : i32
    %dma_start3A_65 = tpu.memref_slice %arg11[%dma_start3A_63, %dma_start3A_64] : memref<1033x128xf32, #tpu.memory_space<vmem_shared>> -> memref<1033x128xf32, #tpu.memory_space<vmem_shared>>
    %dma_start3A_66 = tpu.memref_slice %arg13[%dma_start3A_56] : memref<8x!tpu.dma_semaphore, #tpu.memory_space<semaphore_mem>> -> memref<1x!tpu.dma_semaphore, #tpu.memory_space<semaphore_mem>>
    %dma_start3A_67 = tpu.memref_squeeze %dma_start3A_66 : memref<1x!tpu.dma_semaphore, #tpu.memory_space<semaphore_mem>> -> memref<!tpu.dma_semaphore, #tpu.memory_space<semaphore_mem>>
    tpu.enqueue_indirect_dma source(%dma_start3A_65 : memref<1033x128xf32, #tpu.memory_space<vmem_shared>>) target(%dma_start3A_60 : memref<128x128xf32, #tpu.memory_space<vmem>>) offsets(%dma_start3A_62 : memref<128xi32, #tpu.memory_space<vmem>>) semaphore(%dma_start3A_67 : memref<!tpu.dma_semaphore, #tpu.memory_space<semaphore_mem>>)
    %dma_start3A_68 = arith.constant 4 : i32
    %dma_start3A_69 = arith.constant 4 : i32
    %dma_start3A_70 = arith.constant 0 : i32
    %dma_start3A_71 = arith.constant 0 : i32
    %dma_start3A_72 = tpu.memref_slice %arg10[%dma_start3A_68, %dma_start3A_70, %dma_start3A_71] : memref<7x128x128xf32, #tpu.memory_space<vmem>> -> memref<1x128x128xf32, #tpu.memory_space<vmem>>
    %dma_start3A_73 = tpu.memref_squeeze %dma_start3A_72 : memref<1x128x128xf32, #tpu.memory_space<vmem>> -> memref<128x128xf32, #tpu.memory_space<vmem>>
    %dma_start3A_74 = arith.constant 0 : i32
    %dma_start3A_75 = tpu.memref_slice %arg9[%dma_start3A_74] : memref<512xi32, #tpu.memory_space<vmem>> -> memref<128xi32, #tpu.memory_space<vmem>>
    %dma_start3A_76 = arith.constant 0 : i32
    %dma_start3A_77 = arith.constant 0 : i32
    %dma_start3A_78 = tpu.memref_slice %arg11[%dma_start3A_76, %dma_start3A_77] : memref<1033x128xf32, #tpu.memory_space<vmem_shared>> -> memref<1033x128xf32, #tpu.memory_space<vmem_shared>>
    %dma_start3A_79 = tpu.memref_slice %arg13[%dma_start3A_69] : memref<8x!tpu.dma_semaphore, #tpu.memory_space<semaphore_mem>> -> memref<1x!tpu.dma_semaphore, #tpu.memory_space<semaphore_mem>>
    %dma_start3A_80 = tpu.memref_squeeze %dma_start3A_79 : memref<1x!tpu.dma_semaphore, #tpu.memory_space<semaphore_mem>> -> memref<!tpu.dma_semaphore, #tpu.memory_space<semaphore_mem>>
    tpu.enqueue_indirect_dma source(%dma_start3A_78 : memref<1033x128xf32, #tpu.memory_space<vmem_shared>>) target(%dma_start3A_73 : memref<128x128xf32, #tpu.memory_space<vmem>>) offsets(%dma_start3A_75 : memref<128xi32, #tpu.memory_space<vmem>>) semaphore(%dma_start3A_80 : memref<!tpu.dma_semaphore, #tpu.memory_space<semaphore_mem>>)
    %dma_start3A_81 = arith.constant 5 : i32
    %dma_start3A_82 = arith.constant 5 : i32
    %dma_start3A_83 = arith.constant 0 : i32
    %dma_start3A_84 = arith.constant 0 : i32
    %dma_start3A_85 = tpu.memref_slice %arg10[%dma_start3A_81, %dma_start3A_83, %dma_start3A_84] : memref<7x128x128xf32, #tpu.memory_space<vmem>> -> memref<1x128x128xf32, #tpu.memory_space<vmem>>
    %dma_start3A_86 = tpu.memref_squeeze %dma_start3A_85 : memref<1x128x128xf32, #tpu.memory_space<vmem>> -> memref<128x128xf32, #tpu.memory_space<vmem>>
    %dma_start3A_87 = arith.constant 128 : i32
    %dma_start3A_88 = tpu.memref_slice %arg9[%dma_start3A_87] : memref<512xi32, #tpu.memory_space<vmem>> -> memref<128xi32, #tpu.memory_space<vmem>>
    %dma_start3A_89 = arith.constant 0 : i32
    %dma_start3A_90 = arith.constant 0 : i32
    %dma_start3A_91 = tpu.memref_slice %arg11[%dma_start3A_89, %dma_start3A_90] : memref<1033x128xf32, #tpu.memory_space<vmem_shared>> -> memref<1033x128xf32, #tpu.memory_space<vmem_shared>>
    %dma_start3A_92 = tpu.memref_slice %arg13[%dma_start3A_82] : memref<8x!tpu.dma_semaphore, #tpu.memory_space<semaphore_mem>> -> memref<1x!tpu.dma_semaphore, #tpu.memory_space<semaphore_mem>>
    %dma_start3A_93 = tpu.memref_squeeze %dma_start3A_92 : memref<1x!tpu.dma_semaphore, #tpu.memory_space<semaphore_mem>> -> memref<!tpu.dma_semaphore, #tpu.memory_space<semaphore_mem>>
    tpu.enqueue_indirect_dma source(%dma_start3A_91 : memref<1033x128xf32, #tpu.memory_space<vmem_shared>>) target(%dma_start3A_86 : memref<128x128xf32, #tpu.memory_space<vmem>>) offsets(%dma_start3A_88 : memref<128xi32, #tpu.memory_space<vmem>>) semaphore(%dma_start3A_93 : memref<!tpu.dma_semaphore, #tpu.memory_space<semaphore_mem>>)
    %dma_start3A_94 = arith.constant 6 : i32
    %dma_start3A_95 = arith.constant 6 : i32
    %dma_start3A_96 = arith.constant 0 : i32
    %dma_start3A_97 = arith.constant 0 : i32
    %dma_start3A_98 = tpu.memref_slice %arg10[%dma_start3A_94, %dma_start3A_96, %dma_start3A_97] : memref<7x128x128xf32, #tpu.memory_space<vmem>> -> memref<1x128x128xf32, #tpu.memory_space<vmem>>
    %dma_start3A_99 = tpu.memref_squeeze %dma_start3A_98 : memref<1x128x128xf32, #tpu.memory_space<vmem>> -> memref<128x128xf32, #tpu.memory_space<vmem>>
    %dma_start3A_100 = arith.constant 256 : i32
    %dma_start3A_101 = tpu.memref_slice %arg9[%dma_start3A_100] : memref<512xi32, #tpu.memory_space<vmem>> -> memref<128xi32, #tpu.memory_space<vmem>>
    %dma_start3A_102 = arith.constant 0 : i32
    %dma_start3A_103 = arith.constant 0 : i32
    %dma_start3A_104 = tpu.memref_slice %arg11[%dma_start3A_102, %dma_start3A_103] : memref<1033x128xf32, #tpu.memory_space<vmem_shared>> -> memref<1033x128xf32, #tpu.memory_space<vmem_shared>>
    %dma_start3A_105 = tpu.memref_slice %arg13[%dma_start3A_95] : memref<8x!tpu.dma_semaphore, #tpu.memory_space<semaphore_mem>> -> memref<1x!tpu.dma_semaphore, #tpu.memory_space<semaphore_mem>>
    %dma_start3A_106 = tpu.memref_squeeze %dma_start3A_105 : memref<1x!tpu.dma_semaphore, #tpu.memory_space<semaphore_mem>> -> memref<!tpu.dma_semaphore, #tpu.memory_space<semaphore_mem>>
    tpu.enqueue_indirect_dma source(%dma_start3A_104 : memref<1033x128xf32, #tpu.memory_space<vmem_shared>>) target(%dma_start3A_99 : memref<128x128xf32, #tpu.memory_space<vmem>>) offsets(%dma_start3A_101 : memref<128xi32, #tpu.memory_space<vmem>>) semaphore(%dma_start3A_106 : memref<!tpu.dma_semaphore, #tpu.memory_space<semaphore_mem>>)
    %dma_wait3A_107 = arith.constant 0 : i32
    %dma_wait3A_108 = arith.constant 0 : i32
    %dma_wait3A_109 = arith.constant 0 : i32
    %dma_wait3A_110 = arith.constant 0 : i32
    %dma_wait3A_111 = tpu.memref_slice %arg10[%dma_wait3A_107, %dma_wait3A_109, %dma_wait3A_110] : memref<7x128x128xf32, #tpu.memory_space<vmem>> -> memref<1x128x128xf32, #tpu.memory_space<vmem>>
    %dma_wait3A_112 = tpu.memref_squeeze %dma_wait3A_111 : memref<1x128x128xf32, #tpu.memory_space<vmem>> -> memref<128x128xf32, #tpu.memory_space<vmem>>
    %dma_wait3A_113 = arith.constant 0 : i32
    %dma_wait3A_114 = tpu.memref_slice %arg8[%dma_wait3A_113] : memref<512xi32, #tpu.memory_space<vmem>> -> memref<128xi32, #tpu.memory_space<vmem>>
    %dma_wait3A_115 = arith.constant 0 : i32
    %dma_wait3A_116 = arith.constant 0 : i32
    %dma_wait3A_117 = tpu.memref_slice %arg11[%dma_wait3A_115, %dma_wait3A_116] : memref<1033x128xf32, #tpu.memory_space<vmem_shared>> -> memref<1033x128xf32, #tpu.memory_space<vmem_shared>>
    %dma_wait3A_118 = tpu.memref_slice %arg13[%dma_wait3A_108] : memref<8x!tpu.dma_semaphore, #tpu.memory_space<semaphore_mem>> -> memref<1x!tpu.dma_semaphore, #tpu.memory_space<semaphore_mem>>
    %dma_wait3A_119 = tpu.memref_squeeze %dma_wait3A_118 : memref<1x!tpu.dma_semaphore, #tpu.memory_space<semaphore_mem>> -> memref<!tpu.dma_semaphore, #tpu.memory_space<semaphore_mem>>
    tpu.wait_indirect_dma semaphore(%dma_wait3A_119 : memref<!tpu.dma_semaphore, #tpu.memory_space<semaphore_mem>>) src(%dma_wait3A_117 : memref<1033x128xf32, #tpu.memory_space<vmem_shared>>) dst(%dma_wait3A_112 : memref<128x128xf32, #tpu.memory_space<vmem>>)
    %add3A_120 = arith.constant 0 : i32
    %add3A_121 = arith.addi %mul3A_2, %add3A_120 : i32
    %dma_start3A_122 = arith.constant 0 : i32
    %dma_start3A_123 = arith.constant 0 : i32
    %dma_start3A_124 = arith.constant 0 : i32
    %dma_start3A_125 = arith.constant 0 : i32
    %dma_start3A_126 = tpu.memref_slice %arg10[%dma_start3A_122, %dma_start3A_124, %dma_start3A_125] : memref<7x128x128xf32, #tpu.memory_space<vmem>> -> memref<1x128x128xf32, #tpu.memory_space<vmem>>
    %dma_start3A_127 = tpu.memref_squeeze %dma_start3A_126 : memref<1x128x128xf32, #tpu.memory_space<vmem>> -> memref<128x128xf32, #tpu.memory_space<vmem>>
    %dma_start3A_128 = arith.constant 0 : i32
    %dma_start3A_129 = tpu.memref_slice %arg6[%add3A_121, %dma_start3A_128] : memref<16384x128xf32, #tpu.memory_space<hbm>> -> memref<128x128xf32, #tpu.memory_space<hbm>>
    %dma_start3A_130 = tpu.memref_slice %arg14[%dma_start3A_123] : memref<8x!tpu.dma_semaphore, #tpu.memory_space<semaphore_mem>> -> memref<1x!tpu.dma_semaphore, #tpu.memory_space<semaphore_mem>>
    %dma_start3A_131 = tpu.memref_squeeze %dma_start3A_130 : memref<1x!tpu.dma_semaphore, #tpu.memory_space<semaphore_mem>> -> memref<!tpu.dma_semaphore, #tpu.memory_space<semaphore_mem>>
    %dma_start3A_132 = arith.constant 0 : i32
    %dma_start3A_133 = tpu.memref_slice %arg6[%add3A_121, %dma_start3A_132] : memref<16384x128xf32, #tpu.memory_space<hbm>> -> memref<128x128xf32, #tpu.memory_space<hbm>>
    %dma_start3A_134 = arith.constant 0 : i32
    %dma_start3A_135 = arith.constant 0 : i32
    %dma_start3A_136 = tpu.memref_slice %arg10[%dma_start3A_122, %dma_start3A_134, %dma_start3A_135] : memref<7x128x128xf32, #tpu.memory_space<vmem>> -> memref<1x128x128xf32, #tpu.memory_space<vmem>>
    %dma_start3A_137 = tpu.memref_squeeze %dma_start3A_136 : memref<1x128x128xf32, #tpu.memory_space<vmem>> -> memref<128x128xf32, #tpu.memory_space<vmem>>
    tpu.enqueue_dma source(%dma_start3A_137 : memref<128x128xf32, #tpu.memory_space<vmem>>) target(%dma_start3A_133 : memref<128x128xf32, #tpu.memory_space<hbm>>) target_semaphore(%dma_start3A_131 : memref<!tpu.dma_semaphore, #tpu.memory_space<semaphore_mem>>)
    %dma_wait3A_138 = arith.constant 1 : i32
    %dma_wait3A_139 = arith.constant 1 : i32
    %dma_wait3A_140 = arith.constant 0 : i32
    %dma_wait3A_141 = arith.constant 0 : i32
    %dma_wait3A_142 = tpu.memref_slice %arg10[%dma_wait3A_138, %dma_wait3A_140, %dma_wait3A_141] : memref<7x128x128xf32, #tpu.memory_space<vmem>> -> memref<1x128x128xf32, #tpu.memory_space<vmem>>
    %dma_wait3A_143 = tpu.memref_squeeze %dma_wait3A_142 : memref<1x128x128xf32, #tpu.memory_space<vmem>> -> memref<128x128xf32, #tpu.memory_space<vmem>>
    %dma_wait3A_144 = arith.constant 128 : i32
    %dma_wait3A_145 = tpu.memref_slice %arg8[%dma_wait3A_144] : memref<512xi32, #tpu.memory_space<vmem>> -> memref<128xi32, #tpu.memory_space<vmem>>
    %dma_wait3A_146 = arith.constant 0 : i32
    %dma_wait3A_147 = arith.constant 0 : i32
    %dma_wait3A_148 = tpu.memref_slice %arg11[%dma_wait3A_146, %dma_wait3A_147] : memref<1033x128xf32, #tpu.memory_space<vmem_shared>> -> memref<1033x128xf32, #tpu.memory_space<vmem_shared>>
    %dma_wait3A_149 = tpu.memref_slice %arg13[%dma_wait3A_139] : memref<8x!tpu.dma_semaphore, #tpu.memory_space<semaphore_mem>> -> memref<1x!tpu.dma_semaphore, #tpu.memory_space<semaphore_mem>>
    %dma_wait3A_150 = tpu.memref_squeeze %dma_wait3A_149 : memref<1x!tpu.dma_semaphore, #tpu.memory_space<semaphore_mem>> -> memref<!tpu.dma_semaphore, #tpu.memory_space<semaphore_mem>>
    tpu.wait_indirect_dma semaphore(%dma_wait3A_150 : memref<!tpu.dma_semaphore, #tpu.memory_space<semaphore_mem>>) src(%dma_wait3A_148 : memref<1033x128xf32, #tpu.memory_space<vmem_shared>>) dst(%dma_wait3A_143 : memref<128x128xf32, #tpu.memory_space<vmem>>)
    %add3A_151 = arith.constant 128 : i32
    %add3A_152 = arith.addi %mul3A_2, %add3A_151 : i32
    %dma_start3A_153 = arith.constant 1 : i32
    %dma_start3A_154 = arith.constant 1 : i32
    %dma_start3A_155 = arith.constant 0 : i32
    %dma_start3A_156 = arith.constant 0 : i32
    %dma_start3A_157 = tpu.memref_slice %arg10[%dma_start3A_153, %dma_start3A_155, %dma_start3A_156] : memref<7x128x128xf32, #tpu.memory_space<vmem>> -> memref<1x128x128xf32, #tpu.memory_space<vmem>>
    %dma_start3A_158 = tpu.memref_squeeze %dma_start3A_157 : memref<1x128x128xf32, #tpu.memory_space<vmem>> -> memref<128x128xf32, #tpu.memory_space<vmem>>
    %dma_start3A_159 = arith.constant 0 : i32
    %dma_start3A_160 = tpu.memref_slice %arg6[%add3A_152, %dma_start3A_159] : memref<16384x128xf32, #tpu.memory_space<hbm>> -> memref<128x128xf32, #tpu.memory_space<hbm>>
    %dma_start3A_161 = tpu.memref_slice %arg14[%dma_start3A_154] : memref<8x!tpu.dma_semaphore, #tpu.memory_space<semaphore_mem>> -> memref<1x!tpu.dma_semaphore, #tpu.memory_space<semaphore_mem>>
    %dma_start3A_162 = tpu.memref_squeeze %dma_start3A_161 : memref<1x!tpu.dma_semaphore, #tpu.memory_space<semaphore_mem>> -> memref<!tpu.dma_semaphore, #tpu.memory_space<semaphore_mem>>
    %dma_start3A_163 = arith.constant 0 : i32
    %dma_start3A_164 = tpu.memref_slice %arg6[%add3A_152, %dma_start3A_163] : memref<16384x128xf32, #tpu.memory_space<hbm>> -> memref<128x128xf32, #tpu.memory_space<hbm>>
    %dma_start3A_165 = arith.constant 0 : i32
    %dma_start3A_166 = arith.constant 0 : i32
    %dma_start3A_167 = tpu.memref_slice %arg10[%dma_start3A_153, %dma_start3A_165, %dma_start3A_166] : memref<7x128x128xf32, #tpu.memory_space<vmem>> -> memref<1x128x128xf32, #tpu.memory_space<vmem>>
    %dma_start3A_168 = tpu.memref_squeeze %dma_start3A_167 : memref<1x128x128xf32, #tpu.memory_space<vmem>> -> memref<128x128xf32, #tpu.memory_space<vmem>>
    tpu.enqueue_dma source(%dma_start3A_168 : memref<128x128xf32, #tpu.memory_space<vmem>>) target(%dma_start3A_164 : memref<128x128xf32, #tpu.memory_space<hbm>>) target_semaphore(%dma_start3A_162 : memref<!tpu.dma_semaphore, #tpu.memory_space<semaphore_mem>>)
    %dma_wait3A_169 = arith.constant 2 : i32
    %dma_wait3A_170 = arith.constant 2 : i32
    %dma_wait3A_171 = arith.constant 0 : i32
    %dma_wait3A_172 = arith.constant 0 : i32
    %dma_wait3A_173 = tpu.memref_slice %arg10[%dma_wait3A_169, %dma_wait3A_171, %dma_wait3A_172] : memref<7x128x128xf32, #tpu.memory_space<vmem>> -> memref<1x128x128xf32, #tpu.memory_space<vmem>>
    %dma_wait3A_174 = tpu.memref_squeeze %dma_wait3A_173 : memref<1x128x128xf32, #tpu.memory_space<vmem>> -> memref<128x128xf32, #tpu.memory_space<vmem>>
    %dma_wait3A_175 = arith.constant 256 : i32
    %dma_wait3A_176 = tpu.memref_slice %arg8[%dma_wait3A_175] : memref<512xi32, #tpu.memory_space<vmem>> -> memref<128xi32, #tpu.memory_space<vmem>>
    %dma_wait3A_177 = arith.constant 0 : i32
    %dma_wait3A_178 = arith.constant 0 : i32
    %dma_wait3A_179 = tpu.memref_slice %arg11[%dma_wait3A_177, %dma_wait3A_178] : memref<1033x128xf32, #tpu.memory_space<vmem_shared>> -> memref<1033x128xf32, #tpu.memory_space<vmem_shared>>
    %dma_wait3A_180 = tpu.memref_slice %arg13[%dma_wait3A_170] : memref<8x!tpu.dma_semaphore, #tpu.memory_space<semaphore_mem>> -> memref<1x!tpu.dma_semaphore, #tpu.memory_space<semaphore_mem>>
    %dma_wait3A_181 = tpu.memref_squeeze %dma_wait3A_180 : memref<1x!tpu.dma_semaphore, #tpu.memory_space<semaphore_mem>> -> memref<!tpu.dma_semaphore, #tpu.memory_space<semaphore_mem>>
    tpu.wait_indirect_dma semaphore(%dma_wait3A_181 : memref<!tpu.dma_semaphore, #tpu.memory_space<semaphore_mem>>) src(%dma_wait3A_179 : memref<1033x128xf32, #tpu.memory_space<vmem_shared>>) dst(%dma_wait3A_174 : memref<128x128xf32, #tpu.memory_space<vmem>>)
    %add3A_182 = arith.constant 256 : i32
    %add3A_183 = arith.addi %mul3A_2, %add3A_182 : i32
    %dma_start3A_184 = arith.constant 2 : i32
    %dma_start3A_185 = arith.constant 2 : i32
    %dma_start3A_186 = arith.constant 0 : i32
    %dma_start3A_187 = arith.constant 0 : i32
    %dma_start3A_188 = tpu.memref_slice %arg10[%dma_start3A_184, %dma_start3A_186, %dma_start3A_187] : memref<7x128x128xf32, #tpu.memory_space<vmem>> -> memref<1x128x128xf32, #tpu.memory_space<vmem>>
    %dma_start3A_189 = tpu.memref_squeeze %dma_start3A_188 : memref<1x128x128xf32, #tpu.memory_space<vmem>> -> memref<128x128xf32, #tpu.memory_space<vmem>>
    %dma_start3A_190 = arith.constant 0 : i32
    %dma_start3A_191 = tpu.memref_slice %arg6[%add3A_183, %dma_start3A_190] : memref<16384x128xf32, #tpu.memory_space<hbm>> -> memref<128x128xf32, #tpu.memory_space<hbm>>
    %dma_start3A_192 = tpu.memref_slice %arg14[%dma_start3A_185] : memref<8x!tpu.dma_semaphore, #tpu.memory_space<semaphore_mem>> -> memref<1x!tpu.dma_semaphore, #tpu.memory_space<semaphore_mem>>
    %dma_start3A_193 = tpu.memref_squeeze %dma_start3A_192 : memref<1x!tpu.dma_semaphore, #tpu.memory_space<semaphore_mem>> -> memref<!tpu.dma_semaphore, #tpu.memory_space<semaphore_mem>>
    %dma_start3A_194 = arith.constant 0 : i32
    %dma_start3A_195 = tpu.memref_slice %arg6[%add3A_183, %dma_start3A_194] : memref<16384x128xf32, #tpu.memory_space<hbm>> -> memref<128x128xf32, #tpu.memory_space<hbm>>
    %dma_start3A_196 = arith.constant 0 : i32
    %dma_start3A_197 = arith.constant 0 : i32
    %dma_start3A_198 = tpu.memref_slice %arg10[%dma_start3A_184, %dma_start3A_196, %dma_start3A_197] : memref<7x128x128xf32, #tpu.memory_space<vmem>> -> memref<1x128x128xf32, #tpu.memory_space<vmem>>
    %dma_start3A_199 = tpu.memref_squeeze %dma_start3A_198 : memref<1x128x128xf32, #tpu.memory_space<vmem>> -> memref<128x128xf32, #tpu.memory_space<vmem>>
    tpu.enqueue_dma source(%dma_start3A_199 : memref<128x128xf32, #tpu.memory_space<vmem>>) target(%dma_start3A_195 : memref<128x128xf32, #tpu.memory_space<hbm>>) target_semaphore(%dma_start3A_193 : memref<!tpu.dma_semaphore, #tpu.memory_space<semaphore_mem>>)
    %dma_wait3A_200 = arith.constant 3 : i32
    %dma_wait3A_201 = arith.constant 3 : i32
    %dma_wait3A_202 = arith.constant 0 : i32
    %dma_wait3A_203 = arith.constant 0 : i32
    %dma_wait3A_204 = tpu.memref_slice %arg10[%dma_wait3A_200, %dma_wait3A_202, %dma_wait3A_203] : memref<7x128x128xf32, #tpu.memory_space<vmem>> -> memref<1x128x128xf32, #tpu.memory_space<vmem>>
    %dma_wait3A_205 = tpu.memref_squeeze %dma_wait3A_204 : memref<1x128x128xf32, #tpu.memory_space<vmem>> -> memref<128x128xf32, #tpu.memory_space<vmem>>
    %dma_wait3A_206 = arith.constant 384 : i32
    %dma_wait3A_207 = tpu.memref_slice %arg8[%dma_wait3A_206] : memref<512xi32, #tpu.memory_space<vmem>> -> memref<128xi32, #tpu.memory_space<vmem>>
    %dma_wait3A_208 = arith.constant 0 : i32
    %dma_wait3A_209 = arith.constant 0 : i32
    %dma_wait3A_210 = tpu.memref_slice %arg11[%dma_wait3A_208, %dma_wait3A_209] : memref<1033x128xf32, #tpu.memory_space<vmem_shared>> -> memref<1033x128xf32, #tpu.memory_space<vmem_shared>>
    %dma_wait3A_211 = tpu.memref_slice %arg13[%dma_wait3A_201] : memref<8x!tpu.dma_semaphore, #tpu.memory_space<semaphore_mem>> -> memref<1x!tpu.dma_semaphore, #tpu.memory_space<semaphore_mem>>
    %dma_wait3A_212 = tpu.memref_squeeze %dma_wait3A_211 : memref<1x!tpu.dma_semaphore, #tpu.memory_space<semaphore_mem>> -> memref<!tpu.dma_semaphore, #tpu.memory_space<semaphore_mem>>
    tpu.wait_indirect_dma semaphore(%dma_wait3A_212 : memref<!tpu.dma_semaphore, #tpu.memory_space<semaphore_mem>>) src(%dma_wait3A_210 : memref<1033x128xf32, #tpu.memory_space<vmem_shared>>) dst(%dma_wait3A_205 : memref<128x128xf32, #tpu.memory_space<vmem>>)
    %add3A_213 = arith.constant 384 : i32
    %add3A_214 = arith.addi %mul3A_2, %add3A_213 : i32
    %dma_start3A_215 = arith.constant 3 : i32
    %dma_start3A_216 = arith.constant 3 : i32
    %dma_start3A_217 = arith.constant 0 : i32
    %dma_start3A_218 = arith.constant 0 : i32
    %dma_start3A_219 = tpu.memref_slice %arg10[%dma_start3A_215, %dma_start3A_217, %dma_start3A_218] : memref<7x128x128xf32, #tpu.memory_space<vmem>> -> memref<1x128x128xf32, #tpu.memory_space<vmem>>
    %dma_start3A_220 = tpu.memref_squeeze %dma_start3A_219 : memref<1x128x128xf32, #tpu.memory_space<vmem>> -> memref<128x128xf32, #tpu.memory_space<vmem>>
    %dma_start3A_221 = arith.constant 0 : i32
    %dma_start3A_222 = tpu.memref_slice %arg6[%add3A_214, %dma_start3A_221] : memref<16384x128xf32, #tpu.memory_space<hbm>> -> memref<128x128xf32, #tpu.memory_space<hbm>>
    %dma_start3A_223 = tpu.memref_slice %arg14[%dma_start3A_216] : memref<8x!tpu.dma_semaphore, #tpu.memory_space<semaphore_mem>> -> memref<1x!tpu.dma_semaphore, #tpu.memory_space<semaphore_mem>>
    %dma_start3A_224 = tpu.memref_squeeze %dma_start3A_223 : memref<1x!tpu.dma_semaphore, #tpu.memory_space<semaphore_mem>> -> memref<!tpu.dma_semaphore, #tpu.memory_space<semaphore_mem>>
    %dma_start3A_225 = arith.constant 0 : i32
    %dma_start3A_226 = tpu.memref_slice %arg6[%add3A_214, %dma_start3A_225] : memref<16384x128xf32, #tpu.memory_space<hbm>> -> memref<128x128xf32, #tpu.memory_space<hbm>>
    %dma_start3A_227 = arith.constant 0 : i32
    %dma_start3A_228 = arith.constant 0 : i32
    %dma_start3A_229 = tpu.memref_slice %arg10[%dma_start3A_215, %dma_start3A_227, %dma_start3A_228] : memref<7x128x128xf32, #tpu.memory_space<vmem>> -> memref<1x128x128xf32, #tpu.memory_space<vmem>>
    %dma_start3A_230 = tpu.memref_squeeze %dma_start3A_229 : memref<1x128x128xf32, #tpu.memory_space<vmem>> -> memref<128x128xf32, #tpu.memory_space<vmem>>
    tpu.enqueue_dma source(%dma_start3A_230 : memref<128x128xf32, #tpu.memory_space<vmem>>) target(%dma_start3A_226 : memref<128x128xf32, #tpu.memory_space<hbm>>) target_semaphore(%dma_start3A_224 : memref<!tpu.dma_semaphore, #tpu.memory_space<semaphore_mem>>)
    %dma_wait3A_231 = arith.constant 4 : i32
    %dma_wait3A_232 = arith.constant 4 : i32
    %dma_wait3A_233 = arith.constant 0 : i32
    %dma_wait3A_234 = arith.constant 0 : i32
    %dma_wait3A_235 = tpu.memref_slice %arg10[%dma_wait3A_231, %dma_wait3A_233, %dma_wait3A_234] : memref<7x128x128xf32, #tpu.memory_space<vmem>> -> memref<1x128x128xf32, #tpu.memory_space<vmem>>
    %dma_wait3A_236 = tpu.memref_squeeze %dma_wait3A_235 : memref<1x128x128xf32, #tpu.memory_space<vmem>> -> memref<128x128xf32, #tpu.memory_space<vmem>>
    %dma_wait3A_237 = arith.constant 0 : i32
    %dma_wait3A_238 = tpu.memref_slice %arg9[%dma_wait3A_237] : memref<512xi32, #tpu.memory_space<vmem>> -> memref<128xi32, #tpu.memory_space<vmem>>
    %dma_wait3A_239 = arith.constant 0 : i32
    %dma_wait3A_240 = arith.constant 0 : i32
    %dma_wait3A_241 = tpu.memref_slice %arg11[%dma_wait3A_239, %dma_wait3A_240] : memref<1033x128xf32, #tpu.memory_space<vmem_shared>> -> memref<1033x128xf32, #tpu.memory_space<vmem_shared>>
    %dma_wait3A_242 = tpu.memref_slice %arg13[%dma_wait3A_232] : memref<8x!tpu.dma_semaphore, #tpu.memory_space<semaphore_mem>> -> memref<1x!tpu.dma_semaphore, #tpu.memory_space<semaphore_mem>>
    %dma_wait3A_243 = tpu.memref_squeeze %dma_wait3A_242 : memref<1x!tpu.dma_semaphore, #tpu.memory_space<semaphore_mem>> -> memref<!tpu.dma_semaphore, #tpu.memory_space<semaphore_mem>>
    tpu.wait_indirect_dma semaphore(%dma_wait3A_243 : memref<!tpu.dma_semaphore, #tpu.memory_space<semaphore_mem>>) src(%dma_wait3A_241 : memref<1033x128xf32, #tpu.memory_space<vmem_shared>>) dst(%dma_wait3A_236 : memref<128x128xf32, #tpu.memory_space<vmem>>)
    %add3A_244 = arith.constant 0 : i32
    %add3A_245 = arith.addi %mul3A_2, %add3A_244 : i32
    %dma_start3A_246 = arith.constant 4 : i32
    %dma_start3A_247 = arith.constant 4 : i32
    %dma_start3A_248 = arith.constant 0 : i32
    %dma_start3A_249 = arith.constant 0 : i32
    %dma_start3A_250 = tpu.memref_slice %arg10[%dma_start3A_246, %dma_start3A_248, %dma_start3A_249] : memref<7x128x128xf32, #tpu.memory_space<vmem>> -> memref<1x128x128xf32, #tpu.memory_space<vmem>>
    %dma_start3A_251 = tpu.memref_squeeze %dma_start3A_250 : memref<1x128x128xf32, #tpu.memory_space<vmem>> -> memref<128x128xf32, #tpu.memory_space<vmem>>
    %dma_start3A_252 = arith.constant 0 : i32
    %dma_start3A_253 = tpu.memref_slice %arg7[%add3A_245, %dma_start3A_252] : memref<16384x128xf32, #tpu.memory_space<hbm>> -> memref<128x128xf32, #tpu.memory_space<hbm>>
    %dma_start3A_254 = tpu.memref_slice %arg14[%dma_start3A_247] : memref<8x!tpu.dma_semaphore, #tpu.memory_space<semaphore_mem>> -> memref<1x!tpu.dma_semaphore, #tpu.memory_space<semaphore_mem>>
    %dma_start3A_255 = tpu.memref_squeeze %dma_start3A_254 : memref<1x!tpu.dma_semaphore, #tpu.memory_space<semaphore_mem>> -> memref<!tpu.dma_semaphore, #tpu.memory_space<semaphore_mem>>
    %dma_start3A_256 = arith.constant 0 : i32
    %dma_start3A_257 = tpu.memref_slice %arg7[%add3A_245, %dma_start3A_256] : memref<16384x128xf32, #tpu.memory_space<hbm>> -> memref<128x128xf32, #tpu.memory_space<hbm>>
    %dma_start3A_258 = arith.constant 0 : i32
    %dma_start3A_259 = arith.constant 0 : i32
    %dma_start3A_260 = tpu.memref_slice %arg10[%dma_start3A_246, %dma_start3A_258, %dma_start3A_259] : memref<7x128x128xf32, #tpu.memory_space<vmem>> -> memref<1x128x128xf32, #tpu.memory_space<vmem>>
    %dma_start3A_261 = tpu.memref_squeeze %dma_start3A_260 : memref<1x128x128xf32, #tpu.memory_space<vmem>> -> memref<128x128xf32, #tpu.memory_space<vmem>>
    tpu.enqueue_dma source(%dma_start3A_261 : memref<128x128xf32, #tpu.memory_space<vmem>>) target(%dma_start3A_257 : memref<128x128xf32, #tpu.memory_space<hbm>>) target_semaphore(%dma_start3A_255 : memref<!tpu.dma_semaphore, #tpu.memory_space<semaphore_mem>>)
    %dma_wait3A_262 = arith.constant 5 : i32
    %dma_wait3A_263 = arith.constant 5 : i32
    %dma_wait3A_264 = arith.constant 0 : i32
    %dma_wait3A_265 = arith.constant 0 : i32
    %dma_wait3A_266 = tpu.memref_slice %arg10[%dma_wait3A_262, %dma_wait3A_264, %dma_wait3A_265] : memref<7x128x128xf32, #tpu.memory_space<vmem>> -> memref<1x128x128xf32, #tpu.memory_space<vmem>>
    %dma_wait3A_267 = tpu.memref_squeeze %dma_wait3A_266 : memref<1x128x128xf32, #tpu.memory_space<vmem>> -> memref<128x128xf32, #tpu.memory_space<vmem>>
    %dma_wait3A_268 = arith.constant 128 : i32
    %dma_wait3A_269 = tpu.memref_slice %arg9[%dma_wait3A_268] : memref<512xi32, #tpu.memory_space<vmem>> -> memref<128xi32, #tpu.memory_space<vmem>>
    %dma_wait3A_270 = arith.constant 0 : i32
    %dma_wait3A_271 = arith.constant 0 : i32
    %dma_wait3A_272 = tpu.memref_slice %arg11[%dma_wait3A_270, %dma_wait3A_271] : memref<1033x128xf32, #tpu.memory_space<vmem_shared>> -> memref<1033x128xf32, #tpu.memory_space<vmem_shared>>
    %dma_wait3A_273 = tpu.memref_slice %arg13[%dma_wait3A_263] : memref<8x!tpu.dma_semaphore, #tpu.memory_space<semaphore_mem>> -> memref<1x!tpu.dma_semaphore, #tpu.memory_space<semaphore_mem>>
    %dma_wait3A_274 = tpu.memref_squeeze %dma_wait3A_273 : memref<1x!tpu.dma_semaphore, #tpu.memory_space<semaphore_mem>> -> memref<!tpu.dma_semaphore, #tpu.memory_space<semaphore_mem>>
    tpu.wait_indirect_dma semaphore(%dma_wait3A_274 : memref<!tpu.dma_semaphore, #tpu.memory_space<semaphore_mem>>) src(%dma_wait3A_272 : memref<1033x128xf32, #tpu.memory_space<vmem_shared>>) dst(%dma_wait3A_267 : memref<128x128xf32, #tpu.memory_space<vmem>>)
    %add3A_275 = arith.constant 128 : i32
    %add3A_276 = arith.addi %mul3A_2, %add3A_275 : i32
    %dma_start3A_277 = arith.constant 5 : i32
    %dma_start3A_278 = arith.constant 5 : i32
    %dma_start3A_279 = arith.constant 0 : i32
    %dma_start3A_280 = arith.constant 0 : i32
    %dma_start3A_281 = tpu.memref_slice %arg10[%dma_start3A_277, %dma_start3A_279, %dma_start3A_280] : memref<7x128x128xf32, #tpu.memory_space<vmem>> -> memref<1x128x128xf32, #tpu.memory_space<vmem>>
    %dma_start3A_282 = tpu.memref_squeeze %dma_start3A_281 : memref<1x128x128xf32, #tpu.memory_space<vmem>> -> memref<128x128xf32, #tpu.memory_space<vmem>>
    %dma_start3A_283 = arith.constant 0 : i32
    %dma_start3A_284 = tpu.memref_slice %arg7[%add3A_276, %dma_start3A_283] : memref<16384x128xf32, #tpu.memory_space<hbm>> -> memref<128x128xf32, #tpu.memory_space<hbm>>
    %dma_start3A_285 = tpu.memref_slice %arg14[%dma_start3A_278] : memref<8x!tpu.dma_semaphore, #tpu.memory_space<semaphore_mem>> -> memref<1x!tpu.dma_semaphore, #tpu.memory_space<semaphore_mem>>
    %dma_start3A_286 = tpu.memref_squeeze %dma_start3A_285 : memref<1x!tpu.dma_semaphore, #tpu.memory_space<semaphore_mem>> -> memref<!tpu.dma_semaphore, #tpu.memory_space<semaphore_mem>>
    %dma_start3A_287 = arith.constant 0 : i32
    %dma_start3A_288 = tpu.memref_slice %arg7[%add3A_276, %dma_start3A_287] : memref<16384x128xf32, #tpu.memory_space<hbm>> -> memref<128x128xf32, #tpu.memory_space<hbm>>
    %dma_start3A_289 = arith.constant 0 : i32
    %dma_start3A_290 = arith.constant 0 : i32
    %dma_start3A_291 = tpu.memref_slice %arg10[%dma_start3A_277, %dma_start3A_289, %dma_start3A_290] : memref<7x128x128xf32, #tpu.memory_space<vmem>> -> memref<1x128x128xf32, #tpu.memory_space<vmem>>
    %dma_start3A_292 = tpu.memref_squeeze %dma_start3A_291 : memref<1x128x128xf32, #tpu.memory_space<vmem>> -> memref<128x128xf32, #tpu.memory_space<vmem>>
    tpu.enqueue_dma source(%dma_start3A_292 : memref<128x128xf32, #tpu.memory_space<vmem>>) target(%dma_start3A_288 : memref<128x128xf32, #tpu.memory_space<hbm>>) target_semaphore(%dma_start3A_286 : memref<!tpu.dma_semaphore, #tpu.memory_space<semaphore_mem>>)
    %dma_wait3A_293 = arith.constant 6 : i32
    %dma_wait3A_294 = arith.constant 6 : i32
    %dma_wait3A_295 = arith.constant 0 : i32
    %dma_wait3A_296 = arith.constant 0 : i32
    %dma_wait3A_297 = tpu.memref_slice %arg10[%dma_wait3A_293, %dma_wait3A_295, %dma_wait3A_296] : memref<7x128x128xf32, #tpu.memory_space<vmem>> -> memref<1x128x128xf32, #tpu.memory_space<vmem>>
    %dma_wait3A_298 = tpu.memref_squeeze %dma_wait3A_297 : memref<1x128x128xf32, #tpu.memory_space<vmem>> -> memref<128x128xf32, #tpu.memory_space<vmem>>
    %dma_wait3A_299 = arith.constant 256 : i32
    %dma_wait3A_300 = tpu.memref_slice %arg9[%dma_wait3A_299] : memref<512xi32, #tpu.memory_space<vmem>> -> memref<128xi32, #tpu.memory_space<vmem>>
    %dma_wait3A_301 = arith.constant 0 : i32
    %dma_wait3A_302 = arith.constant 0 : i32
    %dma_wait3A_303 = tpu.memref_slice %arg11[%dma_wait3A_301, %dma_wait3A_302] : memref<1033x128xf32, #tpu.memory_space<vmem_shared>> -> memref<1033x128xf32, #tpu.memory_space<vmem_shared>>
    %dma_wait3A_304 = tpu.memref_slice %arg13[%dma_wait3A_294] : memref<8x!tpu.dma_semaphore, #tpu.memory_space<semaphore_mem>> -> memref<1x!tpu.dma_semaphore, #tpu.memory_space<semaphore_mem>>
    %dma_wait3A_305 = tpu.memref_squeeze %dma_wait3A_304 : memref<1x!tpu.dma_semaphore, #tpu.memory_space<semaphore_mem>> -> memref<!tpu.dma_semaphore, #tpu.memory_space<semaphore_mem>>
    tpu.wait_indirect_dma semaphore(%dma_wait3A_305 : memref<!tpu.dma_semaphore, #tpu.memory_space<semaphore_mem>>) src(%dma_wait3A_303 : memref<1033x128xf32, #tpu.memory_space<vmem_shared>>) dst(%dma_wait3A_298 : memref<128x128xf32, #tpu.memory_space<vmem>>)
    %add3A_306 = arith.constant 256 : i32
    %add3A_307 = arith.addi %mul3A_2, %add3A_306 : i32
    %dma_start3A_308 = arith.constant 6 : i32
    %dma_start3A_309 = arith.constant 6 : i32
    %dma_start3A_310 = arith.constant 0 : i32
    %dma_start3A_311 = arith.constant 0 : i32
    %dma_start3A_312 = tpu.memref_slice %arg10[%dma_start3A_308, %dma_start3A_310, %dma_start3A_311] : memref<7x128x128xf32, #tpu.memory_space<vmem>> -> memref<1x128x128xf32, #tpu.memory_space<vmem>>
    %dma_start3A_313 = tpu.memref_squeeze %dma_start3A_312 : memref<1x128x128xf32, #tpu.memory_space<vmem>> -> memref<128x128xf32, #tpu.memory_space<vmem>>
    %dma_start3A_314 = arith.constant 0 : i32
    %dma_start3A_315 = tpu.memref_slice %arg7[%add3A_307, %dma_start3A_314] : memref<16384x128xf32, #tpu.memory_space<hbm>> -> memref<128x128xf32, #tpu.memory_space<hbm>>
    %dma_start3A_316 = tpu.memref_slice %arg14[%dma_start3A_309] : memref<8x!tpu.dma_semaphore, #tpu.memory_space<semaphore_mem>> -> memref<1x!tpu.dma_semaphore, #tpu.memory_space<semaphore_mem>>
    %dma_start3A_317 = tpu.memref_squeeze %dma_start3A_316 : memref<1x!tpu.dma_semaphore, #tpu.memory_space<semaphore_mem>> -> memref<!tpu.dma_semaphore, #tpu.memory_space<semaphore_mem>>
    %dma_start3A_318 = arith.constant 0 : i32
    %dma_start3A_319 = tpu.memref_slice %arg7[%add3A_307, %dma_start3A_318] : memref<16384x128xf32, #tpu.memory_space<hbm>> -> memref<128x128xf32, #tpu.memory_space<hbm>>
    %dma_start3A_320 = arith.constant 0 : i32
    %dma_start3A_321 = arith.constant 0 : i32
    %dma_start3A_322 = tpu.memref_slice %arg10[%dma_start3A_308, %dma_start3A_320, %dma_start3A_321] : memref<7x128x128xf32, #tpu.memory_space<vmem>> -> memref<1x128x128xf32, #tpu.memory_space<vmem>>
    %dma_start3A_323 = tpu.memref_squeeze %dma_start3A_322 : memref<1x128x128xf32, #tpu.memory_space<vmem>> -> memref<128x128xf32, #tpu.memory_space<vmem>>
    tpu.enqueue_dma source(%dma_start3A_323 : memref<128x128xf32, #tpu.memory_space<vmem>>) target(%dma_start3A_319 : memref<128x128xf32, #tpu.memory_space<hbm>>) target_semaphore(%dma_start3A_317 : memref<!tpu.dma_semaphore, #tpu.memory_space<semaphore_mem>>)
    %dma_wait3A_324 = arith.constant 0 : i32
    %dma_wait3A_325 = arith.constant 0 : i32
    %dma_wait3A_326 = arith.constant 0 : i32
    %dma_wait3A_327 = arith.constant 0 : i32
    %dma_wait3A_328 = tpu.memref_slice %arg10[%dma_wait3A_324, %dma_wait3A_326, %dma_wait3A_327] : memref<7x128x128xf32, #tpu.memory_space<vmem>> -> memref<1x128x128xf32, #tpu.memory_space<vmem>>
    %dma_wait3A_329 = tpu.memref_squeeze %dma_wait3A_328 : memref<1x128x128xf32, #tpu.memory_space<vmem>> -> memref<128x128xf32, #tpu.memory_space<vmem>>
    %dma_wait3A_330 = arith.constant 0 : i32
    %dma_wait3A_331 = tpu.memref_slice %arg6[%add3A_121, %dma_wait3A_330] : memref<16384x128xf32, #tpu.memory_space<hbm>> -> memref<128x128xf32, #tpu.memory_space<hbm>>
    %dma_wait3A_332 = tpu.memref_slice %arg14[%dma_wait3A_325] : memref<8x!tpu.dma_semaphore, #tpu.memory_space<semaphore_mem>> -> memref<1x!tpu.dma_semaphore, #tpu.memory_space<semaphore_mem>>
    %dma_wait3A_333 = tpu.memref_squeeze %dma_wait3A_332 : memref<1x!tpu.dma_semaphore, #tpu.memory_space<semaphore_mem>> -> memref<!tpu.dma_semaphore, #tpu.memory_space<semaphore_mem>>
    %dma_wait3A_334 = arith.constant 0 : i32
    %dma_wait3A_335 = tpu.memref_slice %arg6[%add3A_121, %dma_wait3A_334] : memref<16384x128xf32, #tpu.memory_space<hbm>> -> memref<128x128xf32, #tpu.memory_space<hbm>>
    %dma_wait3A_336 = arith.constant 0 : i32
    %dma_wait3A_337 = arith.constant 0 : i32
    %dma_wait3A_338 = tpu.memref_slice %arg10[%dma_wait3A_324, %dma_wait3A_336, %dma_wait3A_337] : memref<7x128x128xf32, #tpu.memory_space<vmem>> -> memref<1x128x128xf32, #tpu.memory_space<vmem>>
    %dma_wait3A_339 = tpu.memref_squeeze %dma_wait3A_338 : memref<1x128x128xf32, #tpu.memory_space<vmem>> -> memref<128x128xf32, #tpu.memory_space<vmem>>
    tpu.wait_dma2 semaphore(%dma_wait3A_333 : memref<!tpu.dma_semaphore, #tpu.memory_space<semaphore_mem>>) src(%dma_wait3A_339 : memref<128x128xf32, #tpu.memory_space<vmem>>) dst(%dma_wait3A_335 : memref<128x128xf32, #tpu.memory_space<hbm>>)
    %dma_start3A_340 = arith.constant 0 : i32
    %dma_start3A_341 = arith.constant 7 : i32
    %dma_start3A_342 = arith.constant 0 : i32
    %dma_start3A_343 = arith.constant 0 : i32
    %dma_start3A_344 = tpu.memref_slice %arg10[%dma_start3A_340, %dma_start3A_342, %dma_start3A_343] : memref<7x128x128xf32, #tpu.memory_space<vmem>> -> memref<1x128x128xf32, #tpu.memory_space<vmem>>
    %dma_start3A_345 = tpu.memref_squeeze %dma_start3A_344 : memref<1x128x128xf32, #tpu.memory_space<vmem>> -> memref<128x128xf32, #tpu.memory_space<vmem>>
    %dma_start3A_346 = arith.constant 384 : i32
    %dma_start3A_347 = tpu.memref_slice %arg9[%dma_start3A_346] : memref<512xi32, #tpu.memory_space<vmem>> -> memref<128xi32, #tpu.memory_space<vmem>>
    %dma_start3A_348 = arith.constant 0 : i32
    %dma_start3A_349 = arith.constant 0 : i32
    %dma_start3A_350 = tpu.memref_slice %arg11[%dma_start3A_348, %dma_start3A_349] : memref<1033x128xf32, #tpu.memory_space<vmem_shared>> -> memref<1033x128xf32, #tpu.memory_space<vmem_shared>>
    %dma_start3A_351 = tpu.memref_slice %arg13[%dma_start3A_341] : memref<8x!tpu.dma_semaphore, #tpu.memory_space<semaphore_mem>> -> memref<1x!tpu.dma_semaphore, #tpu.memory_space<semaphore_mem>>
    %dma_start3A_352 = tpu.memref_squeeze %dma_start3A_351 : memref<1x!tpu.dma_semaphore, #tpu.memory_space<semaphore_mem>> -> memref<!tpu.dma_semaphore, #tpu.memory_space<semaphore_mem>>
    tpu.enqueue_indirect_dma source(%dma_start3A_350 : memref<1033x128xf32, #tpu.memory_space<vmem_shared>>) target(%dma_start3A_345 : memref<128x128xf32, #tpu.memory_space<vmem>>) offsets(%dma_start3A_347 : memref<128xi32, #tpu.memory_space<vmem>>) semaphore(%dma_start3A_352 : memref<!tpu.dma_semaphore, #tpu.memory_space<semaphore_mem>>)
    %dma_wait3A_353 = arith.constant 0 : i32
    %dma_wait3A_354 = arith.constant 7 : i32
    %dma_wait3A_355 = arith.constant 0 : i32
    %dma_wait3A_356 = arith.constant 0 : i32
    %dma_wait3A_357 = tpu.memref_slice %arg10[%dma_wait3A_353, %dma_wait3A_355, %dma_wait3A_356] : memref<7x128x128xf32, #tpu.memory_space<vmem>> -> memref<1x128x128xf32, #tpu.memory_space<vmem>>
    %dma_wait3A_358 = tpu.memref_squeeze %dma_wait3A_357 : memref<1x128x128xf32, #tpu.memory_space<vmem>> -> memref<128x128xf32, #tpu.memory_space<vmem>>
    %dma_wait3A_359 = arith.constant 384 : i32
    %dma_wait3A_360 = tpu.memref_slice %arg9[%dma_wait3A_359] : memref<512xi32, #tpu.memory_space<vmem>> -> memref<128xi32, #tpu.memory_space<vmem>>
    %dma_wait3A_361 = arith.constant 0 : i32
    %dma_wait3A_362 = arith.constant 0 : i32
    %dma_wait3A_363 = tpu.memref_slice %arg11[%dma_wait3A_361, %dma_wait3A_362] : memref<1033x128xf32, #tpu.memory_space<vmem_shared>> -> memref<1033x128xf32, #tpu.memory_space<vmem_shared>>
    %dma_wait3A_364 = tpu.memref_slice %arg13[%dma_wait3A_354] : memref<8x!tpu.dma_semaphore, #tpu.memory_space<semaphore_mem>> -> memref<1x!tpu.dma_semaphore, #tpu.memory_space<semaphore_mem>>
    %dma_wait3A_365 = tpu.memref_squeeze %dma_wait3A_364 : memref<1x!tpu.dma_semaphore, #tpu.memory_space<semaphore_mem>> -> memref<!tpu.dma_semaphore, #tpu.memory_space<semaphore_mem>>
    tpu.wait_indirect_dma semaphore(%dma_wait3A_365 : memref<!tpu.dma_semaphore, #tpu.memory_space<semaphore_mem>>) src(%dma_wait3A_363 : memref<1033x128xf32, #tpu.memory_space<vmem_shared>>) dst(%dma_wait3A_358 : memref<128x128xf32, #tpu.memory_space<vmem>>)
    %add3A_366 = arith.constant 384 : i32
    %add3A_367 = arith.addi %mul3A_2, %add3A_366 : i32
    %dma_start3A_368 = arith.constant 0 : i32
    %dma_start3A_369 = arith.constant 7 : i32
    %dma_start3A_370 = arith.constant 0 : i32
    %dma_start3A_371 = arith.constant 0 : i32
    %dma_start3A_372 = tpu.memref_slice %arg10[%dma_start3A_368, %dma_start3A_370, %dma_start3A_371] : memref<7x128x128xf32, #tpu.memory_space<vmem>> -> memref<1x128x128xf32, #tpu.memory_space<vmem>>
    %dma_start3A_373 = tpu.memref_squeeze %dma_start3A_372 : memref<1x128x128xf32, #tpu.memory_space<vmem>> -> memref<128x128xf32, #tpu.memory_space<vmem>>
    %dma_start3A_374 = arith.constant 0 : i32
    %dma_start3A_375 = tpu.memref_slice %arg7[%add3A_367, %dma_start3A_374] : memref<16384x128xf32, #tpu.memory_space<hbm>> -> memref<128x128xf32, #tpu.memory_space<hbm>>
    %dma_start3A_376 = tpu.memref_slice %arg14[%dma_start3A_369] : memref<8x!tpu.dma_semaphore, #tpu.memory_space<semaphore_mem>> -> memref<1x!tpu.dma_semaphore, #tpu.memory_space<semaphore_mem>>
    %dma_start3A_377 = tpu.memref_squeeze %dma_start3A_376 : memref<1x!tpu.dma_semaphore, #tpu.memory_space<semaphore_mem>> -> memref<!tpu.dma_semaphore, #tpu.memory_space<semaphore_mem>>
    %dma_start3A_378 = arith.constant 0 : i32
    %dma_start3A_379 = tpu.memref_slice %arg7[%add3A_367, %dma_start3A_378] : memref<16384x128xf32, #tpu.memory_space<hbm>> -> memref<128x128xf32, #tpu.memory_space<hbm>>
    %dma_start3A_380 = arith.constant 0 : i32
    %dma_start3A_381 = arith.constant 0 : i32
    %dma_start3A_382 = tpu.memref_slice %arg10[%dma_start3A_368, %dma_start3A_380, %dma_start3A_381] : memref<7x128x128xf32, #tpu.memory_space<vmem>> -> memref<1x128x128xf32, #tpu.memory_space<vmem>>
    %dma_start3A_383 = tpu.memref_squeeze %dma_start3A_382 : memref<1x128x128xf32, #tpu.memory_space<vmem>> -> memref<128x128xf32, #tpu.memory_space<vmem>>
    tpu.enqueue_dma source(%dma_start3A_383 : memref<128x128xf32, #tpu.memory_space<vmem>>) target(%dma_start3A_379 : memref<128x128xf32, #tpu.memory_space<hbm>>) target_semaphore(%dma_start3A_377 : memref<!tpu.dma_semaphore, #tpu.memory_space<semaphore_mem>>)
    %dma_wait3A_384 = arith.constant 1 : i32
    %dma_wait3A_385 = arith.constant 1 : i32
    %dma_wait3A_386 = arith.constant 0 : i32
    %dma_wait3A_387 = arith.constant 0 : i32
    %dma_wait3A_388 = tpu.memref_slice %arg10[%dma_wait3A_384, %dma_wait3A_386, %dma_wait3A_387] : memref<7x128x128xf32, #tpu.memory_space<vmem>> -> memref<1x128x128xf32, #tpu.memory_space<vmem>>
    %dma_wait3A_389 = tpu.memref_squeeze %dma_wait3A_388 : memref<1x128x128xf32, #tpu.memory_space<vmem>> -> memref<128x128xf32, #tpu.memory_space<vmem>>
    %dma_wait3A_390 = arith.constant 0 : i32
    %dma_wait3A_391 = tpu.memref_slice %arg6[%add3A_152, %dma_wait3A_390] : memref<16384x128xf32, #tpu.memory_space<hbm>> -> memref<128x128xf32, #tpu.memory_space<hbm>>
    %dma_wait3A_392 = tpu.memref_slice %arg14[%dma_wait3A_385] : memref<8x!tpu.dma_semaphore, #tpu.memory_space<semaphore_mem>> -> memref<1x!tpu.dma_semaphore, #tpu.memory_space<semaphore_mem>>
    %dma_wait3A_393 = tpu.memref_squeeze %dma_wait3A_392 : memref<1x!tpu.dma_semaphore, #tpu.memory_space<semaphore_mem>> -> memref<!tpu.dma_semaphore, #tpu.memory_space<semaphore_mem>>
    %dma_wait3A_394 = arith.constant 0 : i32
    %dma_wait3A_395 = tpu.memref_slice %arg6[%add3A_152, %dma_wait3A_394] : memref<16384x128xf32, #tpu.memory_space<hbm>> -> memref<128x128xf32, #tpu.memory_space<hbm>>
    %dma_wait3A_396 = arith.constant 0 : i32
    %dma_wait3A_397 = arith.constant 0 : i32
    %dma_wait3A_398 = tpu.memref_slice %arg10[%dma_wait3A_384, %dma_wait3A_396, %dma_wait3A_397] : memref<7x128x128xf32, #tpu.memory_space<vmem>> -> memref<1x128x128xf32, #tpu.memory_space<vmem>>
    %dma_wait3A_399 = tpu.memref_squeeze %dma_wait3A_398 : memref<1x128x128xf32, #tpu.memory_space<vmem>> -> memref<128x128xf32, #tpu.memory_space<vmem>>
    tpu.wait_dma2 semaphore(%dma_wait3A_393 : memref<!tpu.dma_semaphore, #tpu.memory_space<semaphore_mem>>) src(%dma_wait3A_399 : memref<128x128xf32, #tpu.memory_space<vmem>>) dst(%dma_wait3A_395 : memref<128x128xf32, #tpu.memory_space<hbm>>)
    %dma_wait3A_400 = arith.constant 2 : i32
    %dma_wait3A_401 = arith.constant 2 : i32
    %dma_wait3A_402 = arith.constant 0 : i32
    %dma_wait3A_403 = arith.constant 0 : i32
    %dma_wait3A_404 = tpu.memref_slice %arg10[%dma_wait3A_400, %dma_wait3A_402, %dma_wait3A_403] : memref<7x128x128xf32, #tpu.memory_space<vmem>> -> memref<1x128x128xf32, #tpu.memory_space<vmem>>
    %dma_wait3A_405 = tpu.memref_squeeze %dma_wait3A_404 : memref<1x128x128xf32, #tpu.memory_space<vmem>> -> memref<128x128xf32, #tpu.memory_space<vmem>>
    %dma_wait3A_406 = arith.constant 0 : i32
    %dma_wait3A_407 = tpu.memref_slice %arg6[%add3A_183, %dma_wait3A_406] : memref<16384x128xf32, #tpu.memory_space<hbm>> -> memref<128x128xf32, #tpu.memory_space<hbm>>
    %dma_wait3A_408 = tpu.memref_slice %arg14[%dma_wait3A_401] : memref<8x!tpu.dma_semaphore, #tpu.memory_space<semaphore_mem>> -> memref<1x!tpu.dma_semaphore, #tpu.memory_space<semaphore_mem>>
    %dma_wait3A_409 = tpu.memref_squeeze %dma_wait3A_408 : memref<1x!tpu.dma_semaphore, #tpu.memory_space<semaphore_mem>> -> memref<!tpu.dma_semaphore, #tpu.memory_space<semaphore_mem>>
    %dma_wait3A_410 = arith.constant 0 : i32
    %dma_wait3A_411 = tpu.memref_slice %arg6[%add3A_183, %dma_wait3A_410] : memref<16384x128xf32, #tpu.memory_space<hbm>> -> memref<128x128xf32, #tpu.memory_space<hbm>>
    %dma_wait3A_412 = arith.constant 0 : i32
    %dma_wait3A_413 = arith.constant 0 : i32
    %dma_wait3A_414 = tpu.memref_slice %arg10[%dma_wait3A_400, %dma_wait3A_412, %dma_wait3A_413] : memref<7x128x128xf32, #tpu.memory_space<vmem>> -> memref<1x128x128xf32, #tpu.memory_space<vmem>>
    %dma_wait3A_415 = tpu.memref_squeeze %dma_wait3A_414 : memref<1x128x128xf32, #tpu.memory_space<vmem>> -> memref<128x128xf32, #tpu.memory_space<vmem>>
    tpu.wait_dma2 semaphore(%dma_wait3A_409 : memref<!tpu.dma_semaphore, #tpu.memory_space<semaphore_mem>>) src(%dma_wait3A_415 : memref<128x128xf32, #tpu.memory_space<vmem>>) dst(%dma_wait3A_411 : memref<128x128xf32, #tpu.memory_space<hbm>>)
    %dma_wait3A_416 = arith.constant 3 : i32
    %dma_wait3A_417 = arith.constant 3 : i32
    %dma_wait3A_418 = arith.constant 0 : i32
    %dma_wait3A_419 = arith.constant 0 : i32
    %dma_wait3A_420 = tpu.memref_slice %arg10[%dma_wait3A_416, %dma_wait3A_418, %dma_wait3A_419] : memref<7x128x128xf32, #tpu.memory_space<vmem>> -> memref<1x128x128xf32, #tpu.memory_space<vmem>>
    %dma_wait3A_421 = tpu.memref_squeeze %dma_wait3A_420 : memref<1x128x128xf32, #tpu.memory_space<vmem>> -> memref<128x128xf32, #tpu.memory_space<vmem>>
    %dma_wait3A_422 = arith.constant 0 : i32
    %dma_wait3A_423 = tpu.memref_slice %arg6[%add3A_214, %dma_wait3A_422] : memref<16384x128xf32, #tpu.memory_space<hbm>> -> memref<128x128xf32, #tpu.memory_space<hbm>>
    %dma_wait3A_424 = tpu.memref_slice %arg14[%dma_wait3A_417] : memref<8x!tpu.dma_semaphore, #tpu.memory_space<semaphore_mem>> -> memref<1x!tpu.dma_semaphore, #tpu.memory_space<semaphore_mem>>
    %dma_wait3A_425 = tpu.memref_squeeze %dma_wait3A_424 : memref<1x!tpu.dma_semaphore, #tpu.memory_space<semaphore_mem>> -> memref<!tpu.dma_semaphore, #tpu.memory_space<semaphore_mem>>
    %dma_wait3A_426 = arith.constant 0 : i32
    %dma_wait3A_427 = tpu.memref_slice %arg6[%add3A_214, %dma_wait3A_426] : memref<16384x128xf32, #tpu.memory_space<hbm>> -> memref<128x128xf32, #tpu.memory_space<hbm>>
    %dma_wait3A_428 = arith.constant 0 : i32
    %dma_wait3A_429 = arith.constant 0 : i32
    %dma_wait3A_430 = tpu.memref_slice %arg10[%dma_wait3A_416, %dma_wait3A_428, %dma_wait3A_429] : memref<7x128x128xf32, #tpu.memory_space<vmem>> -> memref<1x128x128xf32, #tpu.memory_space<vmem>>
    %dma_wait3A_431 = tpu.memref_squeeze %dma_wait3A_430 : memref<1x128x128xf32, #tpu.memory_space<vmem>> -> memref<128x128xf32, #tpu.memory_space<vmem>>
    tpu.wait_dma2 semaphore(%dma_wait3A_425 : memref<!tpu.dma_semaphore, #tpu.memory_space<semaphore_mem>>) src(%dma_wait3A_431 : memref<128x128xf32, #tpu.memory_space<vmem>>) dst(%dma_wait3A_427 : memref<128x128xf32, #tpu.memory_space<hbm>>)
    %dma_wait3A_432 = arith.constant 4 : i32
    %dma_wait3A_433 = arith.constant 4 : i32
    %dma_wait3A_434 = arith.constant 0 : i32
    %dma_wait3A_435 = arith.constant 0 : i32
    %dma_wait3A_436 = tpu.memref_slice %arg10[%dma_wait3A_432, %dma_wait3A_434, %dma_wait3A_435] : memref<7x128x128xf32, #tpu.memory_space<vmem>> -> memref<1x128x128xf32, #tpu.memory_space<vmem>>
    %dma_wait3A_437 = tpu.memref_squeeze %dma_wait3A_436 : memref<1x128x128xf32, #tpu.memory_space<vmem>> -> memref<128x128xf32, #tpu.memory_space<vmem>>
    %dma_wait3A_438 = arith.constant 0 : i32
    %dma_wait3A_439 = tpu.memref_slice %arg7[%add3A_245, %dma_wait3A_438] : memref<16384x128xf32, #tpu.memory_space<hbm>> -> memref<128x128xf32, #tpu.memory_space<hbm>>
    %dma_wait3A_440 = tpu.memref_slice %arg14[%dma_wait3A_433] : memref<8x!tpu.dma_semaphore, #tpu.memory_space<semaphore_mem>> -> memref<1x!tpu.dma_semaphore, #tpu.memory_space<semaphore_mem>>
    %dma_wait3A_441 = tpu.memref_squeeze %dma_wait3A_440 : memref<1x!tpu.dma_semaphore, #tpu.memory_space<semaphore_mem>> -> memref<!tpu.dma_semaphore, #tpu.memory_space<semaphore_mem>>
    %dma_wait3A_442 = arith.constant 0 : i32
    %dma_wait3A_443 = tpu.memref_slice %arg7[%add3A_245, %dma_wait3A_442] : memref<16384x128xf32, #tpu.memory_space<hbm>> -> memref<128x128xf32, #tpu.memory_space<hbm>>
    %dma_wait3A_444 = arith.constant 0 : i32
    %dma_wait3A_445 = arith.constant 0 : i32
    %dma_wait3A_446 = tpu.memref_slice %arg10[%dma_wait3A_432, %dma_wait3A_444, %dma_wait3A_445] : memref<7x128x128xf32, #tpu.memory_space<vmem>> -> memref<1x128x128xf32, #tpu.memory_space<vmem>>
    %dma_wait3A_447 = tpu.memref_squeeze %dma_wait3A_446 : memref<1x128x128xf32, #tpu.memory_space<vmem>> -> memref<128x128xf32, #tpu.memory_space<vmem>>
    tpu.wait_dma2 semaphore(%dma_wait3A_441 : memref<!tpu.dma_semaphore, #tpu.memory_space<semaphore_mem>>) src(%dma_wait3A_447 : memref<128x128xf32, #tpu.memory_space<vmem>>) dst(%dma_wait3A_443 : memref<128x128xf32, #tpu.memory_space<hbm>>)
    %dma_wait3A_448 = arith.constant 5 : i32
    %dma_wait3A_449 = arith.constant 5 : i32
    %dma_wait3A_450 = arith.constant 0 : i32
    %dma_wait3A_451 = arith.constant 0 : i32
    %dma_wait3A_452 = tpu.memref_slice %arg10[%dma_wait3A_448, %dma_wait3A_450, %dma_wait3A_451] : memref<7x128x128xf32, #tpu.memory_space<vmem>> -> memref<1x128x128xf32, #tpu.memory_space<vmem>>
    %dma_wait3A_453 = tpu.memref_squeeze %dma_wait3A_452 : memref<1x128x128xf32, #tpu.memory_space<vmem>> -> memref<128x128xf32, #tpu.memory_space<vmem>>
    %dma_wait3A_454 = arith.constant 0 : i32
    %dma_wait3A_455 = tpu.memref_slice %arg7[%add3A_276, %dma_wait3A_454] : memref<16384x128xf32, #tpu.memory_space<hbm>> -> memref<128x128xf32, #tpu.memory_space<hbm>>
    %dma_wait3A_456 = tpu.memref_slice %arg14[%dma_wait3A_449] : memref<8x!tpu.dma_semaphore, #tpu.memory_space<semaphore_mem>> -> memref<1x!tpu.dma_semaphore, #tpu.memory_space<semaphore_mem>>
    %dma_wait3A_457 = tpu.memref_squeeze %dma_wait3A_456 : memref<1x!tpu.dma_semaphore, #tpu.memory_space<semaphore_mem>> -> memref<!tpu.dma_semaphore, #tpu.memory_space<semaphore_mem>>
    %dma_wait3A_458 = arith.constant 0 : i32
    %dma_wait3A_459 = tpu.memref_slice %arg7[%add3A_276, %dma_wait3A_458] : memref<16384x128xf32, #tpu.memory_space<hbm>> -> memref<128x128xf32, #tpu.memory_space<hbm>>
    %dma_wait3A_460 = arith.constant 0 : i32
    %dma_wait3A_461 = arith.constant 0 : i32
    %dma_wait3A_462 = tpu.memref_slice %arg10[%dma_wait3A_448, %dma_wait3A_460, %dma_wait3A_461] : memref<7x128x128xf32, #tpu.memory_space<vmem>> -> memref<1x128x128xf32, #tpu.memory_space<vmem>>
    %dma_wait3A_463 = tpu.memref_squeeze %dma_wait3A_462 : memref<1x128x128xf32, #tpu.memory_space<vmem>> -> memref<128x128xf32, #tpu.memory_space<vmem>>
    tpu.wait_dma2 semaphore(%dma_wait3A_457 : memref<!tpu.dma_semaphore, #tpu.memory_space<semaphore_mem>>) src(%dma_wait3A_463 : memref<128x128xf32, #tpu.memory_space<vmem>>) dst(%dma_wait3A_459 : memref<128x128xf32, #tpu.memory_space<hbm>>)
    %dma_wait3A_464 = arith.constant 6 : i32
    %dma_wait3A_465 = arith.constant 6 : i32
    %dma_wait3A_466 = arith.constant 0 : i32
    %dma_wait3A_467 = arith.constant 0 : i32
    %dma_wait3A_468 = tpu.memref_slice %arg10[%dma_wait3A_464, %dma_wait3A_466, %dma_wait3A_467] : memref<7x128x128xf32, #tpu.memory_space<vmem>> -> memref<1x128x128xf32, #tpu.memory_space<vmem>>
    %dma_wait3A_469 = tpu.memref_squeeze %dma_wait3A_468 : memref<1x128x128xf32, #tpu.memory_space<vmem>> -> memref<128x128xf32, #tpu.memory_space<vmem>>
    %dma_wait3A_470 = arith.constant 0 : i32
    %dma_wait3A_471 = tpu.memref_slice %arg7[%add3A_307, %dma_wait3A_470] : memref<16384x128xf32, #tpu.memory_space<hbm>> -> memref<128x128xf32, #tpu.memory_space<hbm>>
    %dma_wait3A_472 = tpu.memref_slice %arg14[%dma_wait3A_465] : memref<8x!tpu.dma_semaphore, #tpu.memory_space<semaphore_mem>> -> memref<1x!tpu.dma_semaphore, #tpu.memory_space<semaphore_mem>>
    %dma_wait3A_473 = tpu.memref_squeeze %dma_wait3A_472 : memref<1x!tpu.dma_semaphore, #tpu.memory_space<semaphore_mem>> -> memref<!tpu.dma_semaphore, #tpu.memory_space<semaphore_mem>>
    %dma_wait3A_474 = arith.constant 0 : i32
    %dma_wait3A_475 = tpu.memref_slice %arg7[%add3A_307, %dma_wait3A_474] : memref<16384x128xf32, #tpu.memory_space<hbm>> -> memref<128x128xf32, #tpu.memory_space<hbm>>
    %dma_wait3A_476 = arith.constant 0 : i32
    %dma_wait3A_477 = arith.constant 0 : i32
    %dma_wait3A_478 = tpu.memref_slice %arg10[%dma_wait3A_464, %dma_wait3A_476, %dma_wait3A_477] : memref<7x128x128xf32, #tpu.memory_space<vmem>> -> memref<1x128x128xf32, #tpu.memory_space<vmem>>
    %dma_wait3A_479 = tpu.memref_squeeze %dma_wait3A_478 : memref<1x128x128xf32, #tpu.memory_space<vmem>> -> memref<128x128xf32, #tpu.memory_space<vmem>>
    tpu.wait_dma2 semaphore(%dma_wait3A_473 : memref<!tpu.dma_semaphore, #tpu.memory_space<semaphore_mem>>) src(%dma_wait3A_479 : memref<128x128xf32, #tpu.memory_space<vmem>>) dst(%dma_wait3A_475 : memref<128x128xf32, #tpu.memory_space<hbm>>)
    %dma_wait3A_480 = arith.constant 0 : i32
    %dma_wait3A_481 = arith.constant 7 : i32
    %dma_wait3A_482 = arith.constant 0 : i32
    %dma_wait3A_483 = arith.constant 0 : i32
    %dma_wait3A_484 = tpu.memref_slice %arg10[%dma_wait3A_480, %dma_wait3A_482, %dma_wait3A_483] : memref<7x128x128xf32, #tpu.memory_space<vmem>> -> memref<1x128x128xf32, #tpu.memory_space<vmem>>
    %dma_wait3A_485 = tpu.memref_squeeze %dma_wait3A_484 : memref<1x128x128xf32, #tpu.memory_space<vmem>> -> memref<128x128xf32, #tpu.memory_space<vmem>>
    %dma_wait3A_486 = arith.constant 0 : i32
    %dma_wait3A_487 = tpu.memref_slice %arg7[%add3A_367, %dma_wait3A_486] : memref<16384x128xf32, #tpu.memory_space<hbm>> -> memref<128x128xf32, #tpu.memory_space<hbm>>
    %dma_wait3A_488 = tpu.memref_slice %arg14[%dma_wait3A_481] : memref<8x!tpu.dma_semaphore, #tpu.memory_space<semaphore_mem>> -> memref<1x!tpu.dma_semaphore, #tpu.memory_space<semaphore_mem>>
    %dma_wait3A_489 = tpu.memref_squeeze %dma_wait3A_488 : memref<1x!tpu.dma_semaphore, #tpu.memory_space<semaphore_mem>> -> memref<!tpu.dma_semaphore, #tpu.memory_space<semaphore_mem>>
    %dma_wait3A_490 = arith.constant 0 : i32
    %dma_wait3A_491 = tpu.memref_slice %arg7[%add3A_367, %dma_wait3A_490] : memref<16384x128xf32, #tpu.memory_space<hbm>> -> memref<128x128xf32, #tpu.memory_space<hbm>>
    %dma_wait3A_492 = arith.constant 0 : i32
    %dma_wait3A_493 = arith.constant 0 : i32
    %dma_wait3A_494 = tpu.memref_slice %arg10[%dma_wait3A_480, %dma_wait3A_492, %dma_wait3A_493] : memref<7x128x128xf32, #tpu.memory_space<vmem>> -> memref<1x128x128xf32, #tpu.memory_space<vmem>>
    %dma_wait3A_495 = tpu.memref_squeeze %dma_wait3A_494 : memref<1x128x128xf32, #tpu.memory_space<vmem>> -> memref<128x128xf32, #tpu.memory_space<vmem>>
    tpu.wait_dma2 semaphore(%dma_wait3A_489 : memref<!tpu.dma_semaphore, #tpu.memory_space<semaphore_mem>>) src(%dma_wait3A_495 : memref<128x128xf32, #tpu.memory_space<vmem>>) dst(%dma_wait3A_491 : memref<128x128xf32, #tpu.memory_space<hbm>>)
    return
  }
}

</mosaic_0001>

<sc_bundles>
// kernel: kernel.3.cloned.1.call-start
scs
__scs_entry_jumppad:
0x0: {  	(pc) =	sbr.rel $0x88, $3  }
0x1: {  	(tag) =	ssettag $0x0;
	lr =	simm.s32 $0x1  }
0x2: {  	[smem:$0x3F9E] =	sst lr;
	_ =	strace $0xD0000000  }
0x3: {  	_ = 	snop  }
0x4: {  	_ = 	snop  }
0x5: {  	_ = 	snop  }
0x6: {  	_ = 	snop  }
0x7: {  	_ = 	snop  }
__scs_overlays_trampoline_lowered:
0x8: {  	[smem:$0x3FAD] =	sst s0  }
0x9: {  	[smem:$0x3FAE] =	sst s1  }
0xa: {  	[smem:$0x3FAF] =	sst s2  }
0xb: {  	[smem:$0x3FB0] =	sst s3  }
0xc: {  	[smem:$0x3FB1] =	sst s4  }
0xd: {  	[smem:$0x3FB2] =	sst s5  }
0xe: {  	[smem:$0x3FB3] =	sst s6  }
0xf: {  	[smem:$0x3FB4] =	sst s7  }
0x10: {  	[smem:$0x3FB5] =	sst s8  }
0x11: {  	[smem:$0x3FB6] =	sst s9;
	s0 =	simm.s32 @!p0 $0x0  }
0x12: {  	s1 =	sld [smem:$0x3F9C];
	s0 =	simm.s32 @p0 $0x1  }
0x13: {  	[smem:$0x3FB7] =	sst s0;
	s0 =	simm.s32 @!p1 $0x0  }
0x14: {  	s2 =	sld [smem:$0x3F9B];
	s0 =	simm.s32 @p1 $0x1  }
0x15: {  	[smem:$0x3FB8] =	sst s0;
	s0 =	simm.s32 @!p2 $0x0  }
0x16: {  	s3 =	sld [smem:$0x3FDB];
	s0 =	simm.s32 @p2 $0x1  }
0x17: {  	s4 =	simm.s32 $0x1BF5;
	[smem:$0x3FBA] =	sst s0  }
0x18: {  	s0 =	sld [smem:$0x3F9D];
	_ =	swait.ge [sflag:s4], $0x0  }
0x19: {  	s7 =	sld [smem:$0x3F9E]  }
0x1a: {  	s8 =	sadd.s32 $0xFFFFE003, lr  }
0x1b: {  	s9 =	sadd.s32 $0xFFFFFEF7, lr;
	s5 =	simm.s32 $0xFFFFFFFF;
	p2 =	slt.u32 s8, $0xFFFFF086  }
0x1c: {  	p1 =	slt.u32 s9, $0xF7A;
	s5 =	simm.s32 @!p2 $0x0  }
0x1d: {  	s5 =	simm.s32 @p1 $0x1;
	p0 =	seq.s32 s7, s2  }
0x1e: {  	s7 =	smul.u32 @!p0 $0xF7A, s2;
	p2 =	seq.s32 @!p0 s5, $0x0  }
0x1f: {  	s9 =	smul.u32 $0xF7A, s1;
	s8 =	simm.s32 @!p0 $0x1BF5;
	p2 =	por !p2, p0  }
0x20: {  	[sflag:s8] =	ssyncset.s32 @!p0 $0xFFFFF086;
	s6 =	sadd.s32 @!p0 s3, s7;
	s7 =	simm.s32 @!p0 $0x108  }
0x21: {  	s3 =	sadd.s32 s3, s9;
	s6 =	sadd.s32 @!p0 $0x88, s6;
	s7 =	simm.s32 @p2 $0x1082  }
0x22: {  	[simem:s7], [sflag:s8] =	dma.local @!p0 [hbm:s6], $0xF7A  }
0x23: {  	s9 =	sor.u32 $0xD0000000, s2;
	s6 =	simm.s32 $0x108;
	_ =	swait.ge @!p0 [sflag:s8], $0x0  }
0x24: {  	s3 =	sadd.s32 $0x88, s3;
	s6 =	simm.s32 @!p1 $0x1082;
	[sflag:s4] =	ssyncset.s32 $0xFFFFF086  }
0x25: {  	[simem:s6], [sflag:s4] =	dma.local [hbm:s3], $0xF7A  }
0x26: {  	[smem:$0x3F9E] =	sst s1;
	(tag) =	ssettag s2;
	_ =	strace s9  }
0x27: {  	s1 =	sld [smem:$0x3FAE]  }
0x28: {  	s2 =	sld [smem:$0x3FAF]  }
0x29: {  	s4 =	sld [smem:$0x3FB1]  }
0x2a: {  	p0 =	seq.s32 s5, $0x0;
	s5 =	sld [smem:$0x3FB2]  }
0x2b: {  	s6 =	sld [smem:$0x3FB3]  }
0x2c: {  	s7 =	sld [smem:$0x3FB4]  }
0x2d: {  	s3 =	simm.s32 $0x108;
	s8 =	sld [smem:$0x3FB5]  }
0x2e: {  	s3 =	simm.s32 @!p0 $0x1082;
	s9 =	sld [smem:$0x3FB6]  }
0x2f: {  	lr =	sadd.s32 s0, s3;
	s0 =	sld [smem:$0x3FAD]  }
0x30: {  	s3 =	sld [smem:$0x3FB0]  }
0x31: {  	[smem:$0x3FB9] =	sst s10  }
0x32: {  	s10 =	sld [smem:$0x3FB7];
	_ =	sdelay $0x3  }
0x33: {  	p0 =	seq.s32 s10, $0x1;
	s10 =	sld [smem:$0x3FB9];
	_ =	sdelay $0x3  }
0x34: {  	[smem:$0x3FB9] =	sst s10  }
0x35: {  	s10 =	sld [smem:$0x3FB8];
	_ =	sdelay $0x3  }
0x36: {  	p1 =	seq.s32 s10, $0x1;
	s10 =	sld [smem:$0x3FB9];
	_ =	sdelay $0x3  }
0x37: {  	[smem:$0x3FB9] =	sst s10  }
0x38: {  	s10 =	sld [smem:$0x3FBA]  }
0x39: {  	_ = 	snop;
	(pc) =	sbr.ind lr, $3  }
0x3a: {  	_ = 	snop  }
0x3b: {  	_ = 	snop  }
0x3c: {  	p2 =	seq.s32 s10, $0x1;
	s10 =	sld [smem:$0x3FB9]  }
0x3d: {  	_ =	shalt  }
0x3e: {  	_ =	shalt  }
0x3f: {  	_ =	shalt  }
0x40: {  	_ =	shalt  }
0x41: {  	_ =	shalt  }
0x42: {  	_ =	shalt  }
0x43: {  	_ =	shalt  }
0x44: {  	_ =	shalt  }
0x45: {  	_ =	shalt  }
0x46: {  	_ =	shalt  }
0x47: {  	_ =	shalt  }
0x48: {  	_ =	shalt  }
0x49: {  	_ =	shalt  }
0x4a: {  	_ =	shalt  }
0x4b: {  	_ =	shalt  }
0x4c: {  	_ =	shalt  }
0x4d: {  	_ =	shalt  }
0x4e: {  	_ =	shalt  }
0x4f: {  	_ =	shalt  }
0x50: {  	_ =	shalt  }
0x51: {  	_ =	shalt  }
0x52: {  	_ =	shalt  }
0x53: {  	_ =	shalt  }
0x54: {  	_ =	shalt  }
0x55: {  	_ =	shalt  }
0x56: {  	_ =	shalt  }
0x57: {  	_ =	shalt  }
0x58: {  	_ =	shalt  }
0x59: {  	_ =	shalt  }
0x5a: {  	_ =	shalt  }
0x5b: {  	_ =	shalt  }
0x5c: {  	_ =	shalt  }
0x5d: {  	_ =	shalt  }
0x5e: {  	_ =	shalt  }
0x5f: {  	_ =	shalt  }
0x60: {  	_ =	shalt  }
0x61: {  	_ =	shalt  }
0x62: {  	_ =	shalt  }
0x63: {  	_ =	shalt  }
0x64: {  	_ =	shalt  }
0x65: {  	_ =	shalt  }
0x66: {  	_ =	shalt  }
0x67: {  	_ =	shalt  }
0x68: {  	_ =	shalt  }
0x69: {  	_ =	shalt  }
0x6a: {  	_ =	shalt  }
0x6b: {  	_ =	shalt  }
0x6c: {  	_ =	shalt  }
0x6d: {  	_ =	shalt  }
0x6e: {  	_ =	shalt  }
0x6f: {  	_ =	shalt  }
0x70: {  	_ =	shalt  }
0x71: {  	_ =	shalt  }
0x72: {  	_ =	shalt  }
0x73: {  	_ =	shalt  }
0x74: {  	_ =	shalt  }
0x75: {  	_ =	shalt  }
0x76: {  	_ =	shalt  }
0x77: {  	_ =	shalt  }
0x78: {  	_ =	shalt  }
0x79: {  	_ =	shalt  }
0x7a: {  	_ =	shalt  }
0x7b: {  	_ =	shalt  }
0x7c: {  	_ =	shalt  }
0x7d: {  	_ =	shalt  }
0x7e: {  	_ =	shalt  }
0x7f: {  	_ =	shalt  }
0x80: {  	_ =	shalt  }
0x81: {  	_ =	shalt  }
0x82: {  	_ =	shalt  }
0x83: {  	_ =	shalt  }
0x84: {  	_ =	shalt  }
0x85: {  	_ =	shalt  }
0x86: {  	_ =	shalt  }
0x87: {  	_ =	shalt  }
.Lfunc_end0:
.L_simem_size_0:
called_computation_lowered:
.L_overlay_start_0:
0x88: {  	s2 =	sld [smem:$0x3FD9]  }
0x89: {  	s3 =	sld [smem:$0x3FFE];
	_ =	sdelay $0x1  }
0x8a: {  	s1 =	srdreg.scid  }
0x8b: {  	s0 =	sand.u32 $0x1, s1  }
0x8c: {  	s14 =	sshll.u32 s0, $0xA;
	s2 =	sadd.s32 s3, s2  }
0x8d: {  	s2 =	sadd.s32 s2, s14  }
0x8e: {  	[smem:$0x3FC5] =	sst s2  }
0x8f: {  	_ = 	snop  }
0x90: {  	s2 =	sld [smem:$0x3FD0];
	_ =	sdelay $0x1  }
0x91: {  	s15 =	sld [smem:$0x3FC8]  }
0x92: {  	s5 =	simm.s32 $0xA;
	s6 =	simm.s32 $0x10;
	s4 =	sld [smem:$0x3FC7]  }
0x93: {  	[smem:s6], [sflag:s5] =	dma.local [hbm:s2], $0x1  }
0x94: {  	_ =	swait.eq [sflag:s5], $0x1  }
0x95: {  	[sflag:s5] =	ssyncset.done $0x0  }
0x96: {  	s16 =	sld [smem:$0x10];
	[sflag:s5] =	ssyncadd.s32 $0xFFFFFFFF  }
0x97: {  	s17 =	sld [smem:$0x11];
	(tm) =	ssettm $0x1  }
0x98: {  	s18 =	sld [smem:$0x3FFB];
	_ =	sdelay $0x3  }
0x99: {  	_ =	strace s18  }
0x9a: {  	s6 =	sld [smem:$0x3FFC];
	_ =	sdelay $0x3  }
0x9b: {  	_ =	strace s6  }
0x9c: {  	s6 =	sld [smem:$0x3FFD];
	_ =	sdelay $0x3  }
0x9d: {  	_ =	strace s6  }
0x9e: {  	_ =	strace $0x8FFFFFFF  }
0x9f: {  	s19 =	sld [smem:$0x3FDB];
	_ =	sdelay $0x1  }
0xa0: {  	s7 =	simm.s32 $_scs_section_size  }
0xa1: {  	s8 =	simm.s32 $_size__tile_overlayer_lowered;
	s9 =	simm.s32 $_tile_overlayer_lowered  }
0xa2: {  	s22 =	simm.s32 $0x1BFF;
	s21 =	sshll.u32 s9, $0x1;
	s6 =	sadd.s32 s7, s19  }
0xa3: {  	s10 =	simm.s32 $0x0;
	s20 =	sshll.u32 s8, $0x1;
	s8 =	sadd.s32 s21, s6  }
0xa4: {  	[timem:s10], [sflag:s22] =	dma.local [hbm:s8], s20  }
0xa5: {  	_ =	swait.ge [sflag:s22], s20  }
0xa6: {  	s7 =	ssub.s32 $0x0, s20;
	[sflag:s22] =	ssyncset.done $0x0  }
0xa7: {  	[sflag:s22] =	ssyncadd.s32 s7;
	_ =	sdelay $0x1  }
0xa8: {  	s23 =	simm.s32 $0x1B8B  }
0xa9: {  	_ =	swait.ge [sflag:s23], $0x1  }
0xaa: {  	[sflag:s23] =	ssyncset.done $0x0  }
0xab: {  	s25 =	simm.s32 $0x1B8E;
	s24 =	sld [smem:$0x3FFE];
	[sflag:s23] =	ssyncadd.s32 $0xFFFFFFFF  }
0xac: {  	s26 =	simm.s32 $execute0_lowered;
	[smem:$0x3FD2] =	sst s25  }
0xad: {  	s8 =	sshll.u32 s26, $0x1;
	_ =	strace $0x80000046;
	[dreg:$0x1] =	wrdreg $0xFFFFFFFF  }
0xae: {  	s28 =	simm.s32 $_size_execute0_lowered;
	s6 =	sadd.s32 s6, s8;
	[dreg:$0x0] =	wrdreg $0x0  }
0xaf: {  	s8 =	sshll.u32 s28, $0x1;
	[dreg:$0x2] =	wrdreg s6  }
0xb0: {  	[dreg:$0x3] =	wrdreg s8  }
0xb1: {  	[dreg:$0x4] =	wrdreg $0xC0  }
0xb2: {  	_ =	task [dreg:s10], $0x5FFFF  }
0xb3: {  	[dreg:$0x1] =	wrdreg $0xFFFFFFFF  }
0xb4: {  	[dreg:$0x0] =	wrdreg $0x60  }
0xb5: {  	[dreg:$0x2] =	wrdreg s24  }
0xb6: {  	[dreg:$0x3] =	wrdreg s15  }
0xb7: {  	[dreg:$0x4] =	wrdreg s4  }
0xb8: {  	[dreg:$0x5] =	wrdreg s16  }
0xb9: {  	[dreg:$0x6] =	wrdreg s17  }
0xba: {  	[dreg:$0x7] =	wrdreg $0x1C4000  }
0xbb: {  	[dreg:$0x8] =	wrdreg $0x9  }
0xbc: {  	_ =	task.clear_ibuf [dreg:s10], $0x9FFFF;
	_ =	strace $0x90000046  }
0xbd: {  	s29 =	simm.s32 $0x9;
	_ =	strace $0x80000048  }
0xbe: {  	_ =	swait.ge [sflag:s29], $0x1  }
0xbf: {  	[sflag:s29] =	ssyncadd.s32 $0xFFFFFFFF  }
0xc0: {  	_ =	strace $0x90000048  }
0xc1: {  	_ =	sfence  }
0xc2: {  	s30 =	sld [smem:$0x0];
	_ =	sdelay $0x2  }
0xc3: {  	s31 =	sshll.u32 s1, $0xD;
	s1 =	sshrl.u32 s1, $0x2  }
0xc4: {  	s3 =	sand.u32 $0x4000, s31;
	s1 =	sadd.s32 s1, s30  }
0xc5: {  	s0 =	sor.u32 s3, s0;
	s1 =	sshll.u32 s1, $0x11  }
0xc6: {  	s0 =	sor.u32 s1, s0  }
0xc7: {  	s0 =	sadd.s32 $0x8F2B, s0  }
0xc8: {  	[sflag:s0] =	ssyncadd.remote.s32 $0x1  }
0xc9: {  	_ =	sfence.sel $0xFFFF  }
0xca: {  	[dreg:$0x0] =	wrdreg $0xFFFFFFFF;
	(pc) =	sbr.abs _section_cstart, $3  }
0xcb: {  	[dreg:$0x1] =	wrdreg $0xFFFFFFFF  }
0xcc: {  	_ =	task.clear_ibuf [dreg:s10], $0x2FFFF;
	_ =	strace $0x9FFFFFFF  }
0xcd: {  	(tm) =	ssettm $0x7FFFFFFF  }
tec
execute0_lowered:
.L_overlay_start_1:
0x0: {  	(tag) =	ssettag $0x1  }
0x1: {  	s0 =	rddreg [dreg:$0x0]  }
0x2: {  	s1 =	rddreg [dreg:$0x3];
	s2 =	srdreg.scid  }
0x3: {  	s5 =	rddreg [dreg:$0x4];
	s6 =	stileid.u32  }
0x4: {  	s3 =	rddreg [dreg:$0x5];
	s4 =	simm.s32 $0x0;
	s17 =	simm.s32 $0x200  }
0x5: {  	s30 =	simm.s32 $0x7;
	s12 =	simm.s32 $0x10;
	s13 =	simm.s32 $0x11  }
0x6: {  	s28 =	simm.s32 $0x10400;
	s29 =	simm.s32 $0x14400;
	s31 =	simm.s32 $0x18400  }
0x7: {  	s2 =	sand.u32 $0x1, s2;
	s7 =	sshll.u32 s6, $0xA;
	[smem:$0x7FF] =	sst s4  }
0x8: {  	s20 =	sadd.s32 $0x10400, s3;
	p0 =	seq.s32 s6, $0x1;
	p1 =	sne.s32 s6, $0x0  }
0x9: {  	s6 =	simm.s32 $0x9;
	s8 =	sshll.u32 s2, $0x9;
	s2 =	ssub.s32 $0x2, s2  }
0xa: {  	_ =	strace $0x80000047;
	s7 =	sor.u32 s8, s7;
	s18 =	sshrl.u32 s2, $0x1  }
0xb: {  	s8 =	sshrl.u32 s7, $0x3;
	s2 =	ssub.s32 s2, s18;
	s7 =	sshll.u32 s7, $0x4  }
0xc: {  	s0 =	sadd.s32 s8, s0;
	s21 =	sadd.s32 s1, s7;
	s22 =	sor.u32 $0x800, s7  }
0xd: {  	s9 =	sor.u32 $0x1000, s7;
	s10 =	sor.u32 $0x1800, s7;
	s24 =	sadd.s32 s5, s7  }
0xe: {  	s15 =	smax.u32 s2, $0x1;
	s2 =	simm.s32 $0x8;
	s7 =	simm.s32 $0xB  }
0xf: {  	s8 =	simm.s32 $0xC;
	s19 =	sadd.s32 $0x1200, s0;
	s0 =	sadd.s32 $0xA00, s0  }
0x10: {  	[dreg:$0xa] =	wrdreg s21;
	s11 =	sadd.s32 s1, s22;
	s23 =	sadd.s32 s1, s9  }
0x11: {  	s1 =	sadd.s32 s1, s10;
	[dreg:$0xe] =	wrdreg s24;
	s25 =	sadd.s32 s5, s22  }
0x12: {  	s26 =	sadd.s32 s5, s9;
	s18 =	sadd.s32 s5, s10;
	[dreg:$0x8] =	wrdreg s19  }
0x13: {  	s21 =	simm.s32 $0x80;
	s22 =	simm.s32 $0x400;
	[dreg:$0x9] =	wrdreg s0  }
0x14: {  	s24 =	simm.s32 $0x5;
	s5 =	simm.s32 $0xA;
	[dreg:$0xb] =	wrdreg s11  }
.Ltmp0:
0x15: {  	s9 =	simm.s32 $0xD;
	[dreg:$0xc] =	wrdreg s23;
	(pc) =	sbr.rel .LBB2_1-.Ltmp0, $4  }
0x16: {  	s10 =	simm.s32 $0xE;
	[dreg:$0xd] =	wrdreg s1;
	s0 =	sshrl.u32 s20, $0x3  }
0x17: {  	s1 =	smov.u32 s26;
	s19 =	simm.s32 $0x12;
	s20 =	simm.s32 $0x1  }
0x18: {  	s26 =	simm.s32 $0x6;
	s11 =	simm.s32 $0xF;
	s23 =	simm.s32 $0x8400  }
0x19: {  	[dreg:$0x7] =	wrdreg s0;
	s0 =	smov.u32 s25;
	s25 =	simm.s32 $0xC400  }
.LBB2_4:
0x1a: {  	s14 =	rddreg [dreg:$0x2]  }
0x1b: {  	s16 =	rddreg [dreg:$0x7];
	s19 =	simm.s32 $0x1C52  }
0x1c: {  	[spmem:s16], [sflag:s19] =	dma.local [hbm:s14], $0x2010  }
0x1d: {  	s19 =	simm.s32 $0x12  }
.LBB2_5:
0x1e: {  	_ =	swait.ge [sflag:s19], $0x2010  }
0x1f: {  	[sflag:s19] =	ssyncset.done $0x0  }
0x20: {  	[sflag:s19] =	ssyncadd.s32 $0xFFFFDFF0  }
.LBB2_6:
0x21: {  	_ =	swait.ge [sflag:s20], $0x200  }
0x22: {  	[sflag:s20] =	ssyncset.done $0x0  }
0x23: {  	[sflag:s20] =	ssyncadd.s32 $0xFFFFFE00  }
0x24: {  	_ =	swait.ge [sflag:s20], $0x200  }
0x25: {  	[sflag:s20] =	ssyncset.done $0x0  }
0x26: {  	[sflag:s20] =	ssyncadd.s32 $0xFFFFFE00  }
0x27: {  	[bflag:$0x0] =	sbarrier.arrive $0xFFFF  }
0x28: {  	[tilespmem:s22], [sflag:$0x2] =	stream.indirect.gather [spmem:s3], $0x80, s4, s21, $0xb8;
	[tilespmem:$0x1E448] =	vst v63  }
0x29: {  	s14 =	simm.s32 $0x4400  }
0x2a: {  	[tilespmem:s14], [sflag:$0x3] =	stream.indirect.gather [spmem:s3], $0x80, s21, s21, $0xb8;
	[tilespmem:$0x1E448] =	vst v63  }
0x2b: {  	s16 =	simm.s32 $0x100  }
0x2c: {  	[tilespmem:s23], [sflag:$0x4] =	stream.indirect.gather [spmem:s3], $0x80, s16, s21, $0xb8;
	[tilespmem:$0x1E448] =	vst v63  }
0x2d: {  	s16 =	simm.s32 $0x180  }
0x2e: {  	[tilespmem:s25], [sflag:$0x5] =	stream.indirect.gather [spmem:s3], $0x80, s16, s21, $0xb8;
	[tilespmem:$0x1E448] =	vst v63  }
0x2f: {  	_ = 	snop  }
0x30: {  	[tilespmem:s28], [sflag:$0x6] =	stream.indirect.gather [spmem:s3], $0x80, s17, s21, $0xb8;
	[tilespmem:$0x1E448] =	vst v63  }
0x31: {  	s16 =	simm.s32 $0x280  }
0x32: {  	[tilespmem:s29], [sflag:$0x7] =	stream.indirect.gather [spmem:s3], $0x80, s16, s21, $0xb8;
	[tilespmem:$0x1E448] =	vst v63  }
0x33: {  	s16 =	simm.s32 $0x300  }
0x34: {  	[tilespmem:s31], [sflag:$0x8] =	stream.indirect.gather [spmem:s3], $0x80, s16, s21, $0xb8;
	[tilespmem:$0x1E448] =	vst v63  }
0x35: {  	s16 =	simm.s32 $0x2  }
0x36: {  	_ =	swait.ge [sflag:s16], $0x4000  }
0x37: {  	[sflag:s16] =	ssyncset.done $0x0  }
0x38: {  	[sflag:s16] =	ssyncadd.s32 $0xFFFFC000;
	s16 =	rddreg [dreg:$0xa]  }
0x39: {  	[hbm4b:s16+s4] =	stream.linear.scatter [tilespmem:s22], [sflag:$0xA], $0x4000, $0x38;
	[tilespmem:$0x1E448] =	vst v63  }
0x3a: {  	s16 =	simm.s32 $0x3  }
0x3b: {  	_ =	swait.ge [sflag:s16], $0x4000  }
0x3c: {  	[sflag:s16] =	ssyncset.done $0x0  }
0x3d: {  	[sflag:s16] =	ssyncadd.s32 $0xFFFFC000;
	s16 =	rddreg [dreg:$0xb]  }
0x3e: {  	[hbm4b:s16+s4] =	stream.linear.scatter [tilespmem:s14], [sflag:$0xB], $0x4000, $0x38;
	[tilespmem:$0x1E448] =	vst v63  }
0x3f: {  	s16 =	simm.s32 $0x4  }
0x40: {  	_ =	swait.ge [sflag:s16], $0x4000  }
0x41: {  	[sflag:s16] =	ssyncset.done $0x0  }
0x42: {  	[sflag:s16] =	ssyncadd.s32 $0xFFFFC000;
	s16 =	rddreg [dreg:$0xc]  }
0x43: {  	[hbm4b:s16+s4] =	stream.linear.scatter [tilespmem:s23], [sflag:$0xC], $0x4000, $0x38;
	[tilespmem:$0x1E448] =	vst v63  }
0x44: {  	_ =	swait.ge [sflag:s24], $0x4000  }
0x45: {  	[sflag:s24] =	ssyncset.done $0x0  }
0x46: {  	s16 =	rddreg [dreg:$0xd];
	[sflag:s24] =	ssyncadd.s32 $0xFFFFC000  }
0x47: {  	[hbm4b:s16+s4] =	stream.linear.scatter [tilespmem:s25], [sflag:$0xD], $0x4000, $0x38;
	[tilespmem:$0x1E448] =	vst v63  }
0x48: {  	_ =	swait.ge [sflag:s26], $0x4000  }
0x49: {  	[sflag:s26] =	ssyncset.done $0x0  }
0x4a: {  	s16 =	rddreg [dreg:$0xe];
	[sflag:s26] =	ssyncadd.s32 $0xFFFFC000  }
0x4b: {  	[hbm4b:s16+s4] =	stream.linear.scatter [tilespmem:s28], [sflag:$0xE], $0x4000, $0x38;
	[tilespmem:$0x1E448] =	vst v63  }
0x4c: {  	_ =	swait.ge [sflag:s30], $0x4000  }
0x4d: {  	[sflag:s30] =	ssyncset.done $0x0  }
0x4e: {  	[sflag:s30] =	ssyncadd.s32 $0xFFFFC000  }
0x4f: {  	[hbm4b:s0+s4] =	stream.linear.scatter [tilespmem:s29], [sflag:$0xF], $0x4000, $0x38;
	[tilespmem:$0x1E448] =	vst v63  }
0x50: {  	_ =	swait.ge [sflag:s2], $0x4000  }
0x51: {  	[sflag:s2] =	ssyncset.done $0x0  }
0x52: {  	[sflag:s2] =	ssyncadd.s32 $0xFFFFC000  }
0x53: {  	[hbm4b:s1+s4] =	stream.linear.scatter [tilespmem:s31], [sflag:$0x10], $0x4000, $0x38;
	[tilespmem:$0x1E448] =	vst v63  }
0x54: {  	_ =	swait.ge [sflag:s5], $0x4000  }
0x55: {  	[sflag:s5] =	ssyncset.done $0x0  }
0x56: {  	s16 =	simm.s32 $0x380;
	[sflag:s5] =	ssyncadd.s32 $0xFFFFC000  }
0x57: {  	[tilespmem:s22], [sflag:$0x9] =	stream.indirect.gather [spmem:s3], $0x80, s16, s21, $0xb8;
	[tilespmem:$0x1E448] =	vst v63  }
0x58: {  	_ =	swait.ge [sflag:s6], $0x4000  }
0x59: {  	[sflag:s6] =	ssyncset.done $0x0  }
0x5a: {  	[sflag:s6] =	ssyncadd.s32 $0xFFFFC000  }
0x5b: {  	[hbm4b:s18+s4] =	stream.linear.scatter [tilespmem:s22], [sflag:$0x11], $0x4000, $0x38;
	[tilespmem:$0x1E448] =	vst v63  }
0x5c: {  	_ =	swait.ge [sflag:s7], $0x4000  }
0x5d: {  	[sflag:s7] =	ssyncset.done $0x0  }
0x5e: {  	[sflag:s7] =	ssyncadd.s32 $0xFFFFC000  }
0x5f: {  	_ =	swait.ge [sflag:s8], $0x4000  }
0x60: {  	[sflag:s8] =	ssyncset.done $0x0  }
0x61: {  	[sflag:s8] =	ssyncadd.s32 $0xFFFFC000  }
0x62: {  	_ =	swait.ge [sflag:s9], $0x4000  }
0x63: {  	[sflag:s9] =	ssyncset.done $0x0  }
0x64: {  	[sflag:s9] =	ssyncadd.s32 $0xFFFFC000  }
0x65: {  	_ =	swait.ge [sflag:s10], $0x4000  }
0x66: {  	[sflag:s10] =	ssyncset.done $0x0  }
0x67: {  	[sflag:s10] =	ssyncadd.s32 $0xFFFFC000  }
0x68: {  	_ =	swait.ge [sflag:s11], $0x4000  }
0x69: {  	[sflag:s11] =	ssyncset.done $0x0  }
0x6a: {  	s15 =	sadd.s32 $0xFFFFFFFF, s15;
	[sflag:s11] =	ssyncadd.s32 $0xFFFFC000  }
0x6b: {  	p2 =	sne.s32 s15, $0x0;
	_ =	swait.ge [sflag:s12], $0x4000  }
.Ltmp1:
0x6c: {  	[sflag:s12] =	ssyncset.done $0x0;
	(pc) =	sbr.rel @!p2 .LBB2_7-.Ltmp1, $4  }
0x6d: {  	[sflag:s12] =	ssyncadd.s32 $0xFFFFC000  }
0x6e: {  	_ =	swait.ge [sflag:s13], $0x4000  }
0x6f: {  	[sflag:s13] =	ssyncset.done $0x0  }
0x70: {  	[sflag:s13] =	ssyncadd.s32 $0xFFFFC000  }
.LBB2_1:
.Ltmp2:
0x71: {  	(pc) =	sbr.rel @p0 .LBB2_4-.Ltmp2, $4  }
0x72: {  	s14 =	rddreg [dreg:$0x8]  }
0x73: {  	[tilespmem:s4], [sflag:$0x1] =	stream.linear.gather [hbm4b:s14+s4], $0x200, $0x38;
	[tilespmem:$0x1E448] =	vst v63  }
0x74: {  	s16 =	rddreg [dreg:$0x9]  }
0x75: {  	[tilespmem:s17], [sflag:$0x1] =	stream.linear.gather [hbm4b:s16+s4], $0x200, $0x38;
	[tilespmem:$0x1E448] =	vst v63  }
.Ltmp3:
0x76: {  	(pc) =	sbr.rel @p1 .LBB2_6-.Ltmp3, $1  }
0x77: {  	_ =	sdelay $0x3  }
0x78: {  	s17 =	smov.u32 s18  }
.Ltmp4:
0x79: {  	s18 =	smov.u32 s1;
	s1 =	smov.u32 s0;
	(pc) =	sbr.rel .LBB2_5-.Ltmp4, $4  }
0x7a: {  	s16 =	sshrl.u32 s3, $0x3;
	s14 =	rddreg [dreg:$0x1];
	s0 =	simm.s32 $0x1C12  }
0x7b: {  	[spmem:s16], [sflag:s0] =	dma.local [hbm:s14], $0x2010  }
0x7c: {  	s0 =	smov.u32 s1  }
0x7d: {  	s1 =	smov.u32 s18;
	s18 =	smov.u32 s17;
	s17 =	simm.s32 $0x200  }
.LBB2_7:
0x7e: {  	_ =	sfence.sel $0x180000  }
0x7f: {  	[bflag:$0x0] =	sbarrier.arrive $0xFFFF  }
0x80: {  	_ =	strace $0x90000047  }
0x81: {  	[bflag:$0x2] =	sbarrier.arrive $0xFFFF  }
0x82: {  	s0 =	rddreg [dreg:$0x6]  }
0x83: {  	s0 =	sadd.s32 @!p1 $0x100000, s0  }
0x84: {  	[sflag:s0] =	ssyncadd.tile.s32 @!p1 $0x1;
	_ =	shalt  }
.Lfunc_end2:
_tile_overlayer_lowered:
.L_overlay_start_2:
0x85: {  	(tag) =	ssettag $0x2  }
0x86: {  	s0 =	rddreg [dreg:$0x0];
	s2 =	stileid.u32  }
0x87: {  	s1 =	rddreg [dreg:$0x1];
	p0 =	sne.s32 s2, $0x0  }
0x88: {  	s3 =	rddreg [dreg:$0x2];
	[bflag:$0x3] =	sbarrier.arrive $0xFFFF;
	s2 =	simm.s32 @!p0 $0x1C12  }
0x89: {  	[timem:s3], [sflag:s2] =	dma.local @!p0 [hbm:s0], s1  }
0x8a: {  	s0 =	simm.s32 @!p0 $0x12  }
0x8b: {  	_ =	swait.ge @!p0 [sflag:s0], s1  }
0x8c: {  	s1 =	ssub.s32 @!p0 $0x0, s1;
	[sflag:s0] =	ssyncset.done @!p0 $0x0  }
0x8d: {  	[sflag:s0] =	ssyncadd.s32 @!p0 s1  }
0x8e: {  	[bflag:$0x3] =	sbarrier.arrive $0xFFFF  }
0x8f: {  	_ =	shalt  }

</sc_bundles>
